<compile_context>
chip_gen: v7x
topology: tpu7x:2x2x1
jax: 0.10.2.dev20260603
libtpu: 0.0.44.dev20260713+nightly
codegen_flags: <defaults>
</compile_context>

<pallas_src>
import jax
import jax.numpy as jnp
import numpy as np
from jax import lax
from jax.experimental import pallas as pl
from jax.experimental.pallas import tpu as pltpu
from jax.experimental.pallas import tpu_sc as plsc

_NUM_BUCKETS = 32
_MAX_DISTANCE = 128
_NUM_HEADS = 16
_S = 2048
_TP = 4096
_BR = 128
_NC = 2
_PAD = 128
_HSC = 4
_HTC = _NUM_HEADS - _HSC
_HPC = _HSC // _NC
_TI = 512


def _diag_bucket_table() -> np.ndarray:
    d = np.arange(-(_S - 1), _S, dtype=np.int32)
    neg = -d
    nb = _NUM_BUCKETS // 2
    me = nb // 2
    b = (neg < 0).astype(np.int32) * nb
    neg = np.abs(neg)
    large = me + (
        np.log(neg.astype(np.float32) / me + np.finfo(np.float32).eps)
        / np.log(_MAX_DISTANCE / me)
        * (nb - me)
    ).astype(np.int32)
    large = np.minimum(large, nb - 1)
    b = b + np.where(neg < me, neg, large)
    return np.concatenate([b, b[-1:]]).astype(np.int32)


_BUCKET_TABLE = _diag_bucket_table()
_ONE_HOT = (_BUCKET_TABLE[None, :] == np.arange(_NUM_BUCKETS)[:, None]).astype(
    np.float32
)


def _sc_body(bt_hbm, e_hbm, out_hbm, bt_v, e_v, d_v, bld_v, dmat_s, sem):
    core = lax.axis_index("c")
    tid = lax.axis_index("s")

    pltpu.sync_copy(bt_hbm, bt_v)
    pltpu.sync_copy(e_hbm, e_v)

    def out_dma(hh, buf):
        sh = core * _HPC + hh
        i0 = _BR * tid
        return pltpu.make_async_copy(
            dmat_s.at[buf, :, pl.ds(_S - i0, _S)],
            out_hbm.at[pl.ds(sh * _S + i0, _BR)],
            sem,
        )

    for hh in range(_HPC):
        buf = hh % 2
        h = core * _HPC + hh
        h_vec = jnp.full((16,), h, dtype=jnp.int32)

        @plsc.parallel_loop(0, _TP // 16, unroll=4)
        def dbody(k, h_vec=h_vec):
            bidx = bt_v[pl.ds(k * 16, 16)]
            d_v[pl.ds(_PAD + k * 16, 16)] = plsc.load_gather(e_v, [h_vec, bidx])

        for r in range(8):
            sh = _PAD - (8 * tid + r + 1)

            @plsc.parallel_loop(8, _TP // 16, unroll=4)
            def rbody(k, sh=sh, r=r):
                bld_v[r, pl.ds(k * 16, 16)] = d_v[pl.ds(k * 16 + sh, 16)]

        if hh >= 2:
            out_dma(hh - 2, buf).wait()
            plsc.subcore_barrier()

        pltpu.sync_copy(bld_v, dmat_s.at[buf, pl.ds(8 * tid, 8), :])
        plsc.subcore_barrier()
        out_dma(hh, buf).start()

    for hh in range(max(0, _HPC - 2), _HPC):
        out_dma(hh, hh % 2).wait()


def _tc_body(e_ref, oh_ref, big_ref, out_ref):
    del big_ref
    h = pl.program_id(0) + _HSC
    e_row = e_ref[pl.ds(h, 1), :]
    d = jnp.dot(e_row, oh_ref[...], preferred_element_type=jnp.float32)
    i0 = pl.program_id(1) * _TI
    d = pltpu.roll(d, i0 + _TP - (_S - 1), axis=1)
    db = jnp.broadcast_to(d, (_TI, _TP))
    rolled = pltpu.roll(db, 0, axis=1, stride=1, stride_axis=0)
    out_ref[...] = rolled[:, :_S]


@jax.jit
def _rpb(rel_embedding):
    e = jnp.asarray(rel_embedding, jnp.float32)
    bt = jnp.asarray(_BUCKET_TABLE)
    oh = jnp.asarray(_ONE_HOT)

    sc_call = pl.kernel(
        _sc_body,
        out_type=jax.ShapeDtypeStruct((_NUM_HEADS * _S, _S), jnp.float32),
        mesh=plsc.VectorSubcoreMesh(core_axis_name="c", subcore_axis_name="s"),
        scratch_types=[
            pltpu.VMEM((_TP,), jnp.int32),
            pltpu.VMEM((_NUM_HEADS, _NUM_BUCKETS), jnp.float32),
            pltpu.VMEM((_PAD + _TP,), jnp.float32),
            pltpu.VMEM((8, _TP), jnp.float32),
            pltpu.VMEM_SHARED((2, _BR, _TP), jnp.float32),
            pltpu.SemaphoreType.DMA,
        ],
        compiler_params=pltpu.CompilerParams(needs_layout_passes=False),
    )
    sc_out = sc_call(bt, e)

    out = pl.pallas_call(
        _tc_body,
        out_shape=jax.ShapeDtypeStruct((_NUM_HEADS * _S, _S), jnp.float32),
        grid=(_HTC, _S // _TI),
        in_specs=[
            pl.BlockSpec((_NUM_HEADS, _NUM_BUCKETS), lambda h, r: (0, 0)),
            pl.BlockSpec((_NUM_BUCKETS, _TP), lambda h, r: (0, 0)),
            pl.BlockSpec(memory_space=pl.ANY),
        ],
        out_specs=pl.BlockSpec(
            (_TI, _S), lambda h, r: ((_HSC + h) * (_S // _TI) + r, 0)
        ),
        input_output_aliases={2: 0},
    )(e, oh, sc_out)

    return out.reshape(1, _NUM_HEADS, _S, _S)


def kernel(rel_embedding, q_seqlen, k_seqlen):
    del q_seqlen, k_seqlen
    return _rpb(rel_embedding)

# --- scband reference (transcript-rebuilt; emitter-appended) ---
"""Pipeline reference for scband-relative-position-biases-7567732376129 (READ-ONLY COPY).

The authoritative reference and input builder live on the scoring server;
editing this copy changes nothing except your own understanding.
"""

import jax, jax.numpy as jnp
import numpy as np

NUM_BUCKETS = 32
MAX_DISTANCE = 128
NUM_HEADS = 16

Q_SEQLEN = 2048
K_SEQLEN = 2048


def setup_inputs(seed: int = 0) -> dict:
    key = jax.random.key(seed)
    rel_embedding = jax.random.normal(key, (NUM_HEADS, NUM_BUCKETS), dtype=jnp.float32) * (1.0 / np.sqrt(NUM_BUCKETS))
    return {"rel_embedding": rel_embedding, "q_seqlen": 2048, "k_seqlen": 2048}


def _compute_rp_bucket(q_seqlen, k_seqlen, bidirectional=True):
    context_position = np.arange(q_seqlen, dtype=np.int32)[:, None]
    memory_position = np.arange(k_seqlen, dtype=np.int32)[None, :]
    relative_position = memory_position - context_position
    negative_rp = -relative_position
    rpb_num_buckets = NUM_BUCKETS
    rp_bucket = 0
    if bidirectional:
        rpb_num_buckets //= 2
        rp_bucket += (negative_rp < 0).astype(np.int32) * rpb_num_buckets
        negative_rp = np.abs(negative_rp)
    else:
        negative_rp = np.maximum(negative_rp, 0)
    rpb_max_exact = rpb_num_buckets // 2
    rpb_is_small = negative_rp < rpb_max_exact
    rpb_val_if_large = rpb_max_exact + (
        np.log(negative_rp.astype(np.float32) / rpb_max_exact + np.finfo(np.float32).eps)
        / np.log(MAX_DISTANCE / rpb_max_exact)
        * (rpb_num_buckets - rpb_max_exact)
    ).astype(np.int32)
    rpb_val_if_large = np.minimum(rpb_val_if_large, rpb_num_buckets - 1)
    rp_bucket = rp_bucket + np.where(rpb_is_small, negative_rp, rpb_val_if_large)
    return rp_bucket


def reference(rel_embedding, q_seqlen, k_seqlen):
    rp_bucket = _compute_rp_bucket(Q_SEQLEN, K_SEQLEN, bidirectional=True)
    rp_bucket = rp_bucket + jnp.int32(0) * (jnp.asarray(q_seqlen, jnp.int32) + jnp.asarray(k_seqlen, jnp.int32))
    rel_embedding = jnp.asarray(rel_embedding, jnp.float32)
    bcast_iota = jax.lax.broadcasted_iota(jnp.int32, (NUM_BUCKETS, 1, 1), 0)
    rp_bucket_one_hot = jnp.asarray(rp_bucket[jnp.newaxis, ...] == bcast_iota, dtype=jnp.float32)
    values = jax.lax.dot_general(rel_embedding, rp_bucket_one_hot, (((1,), (0,)), ((), ())))
    return values[jnp.newaxis, ...]

if __name__ == "__main__":
    import jax
    _d = setup_inputs()
    print(jax.jit(kernel)(*tuple(_d.values())))

</pallas_src>

<mosaic_0001>
#map = affine_map<(d0, d1) -> (0)>
#map1 = affine_map<(d0, d1) -> (0, 0)>
module attributes {stable_mosaic.version = 14 : i64} {
  func.func @_sc_body(%arg0: i32, %arg1: i32, %arg2: memref<4096xi32, #tpu.memory_space<hbm>>, %arg3: memref<16x32xf32, #tpu.memory_space<hbm>>, %arg4: memref<32768x2048xf32, #tpu.memory_space<hbm>>, %arg5: memref<4096xi32, #tpu.memory_space<vmem>>, %arg6: memref<16x32xf32, #tpu.memory_space<vmem>>, %arg7: memref<4224xf32, #tpu.memory_space<vmem>>, %arg8: memref<8x4096xf32, #tpu.memory_space<vmem>>, %arg9: memref<2x128x4096xf32, #tpu.memory_space<vmem_shared>>, %arg10: memref<!tpu.dma_semaphore, #tpu.memory_space<semaphore_mem>>) attributes {dimension_semantics = [#tpu.dimension_semantics<core_parallel>, #tpu.dimension_semantics<subcore_parallel>], iteration_bounds = array<i64: 2, 16>, scalar_prefetch = 0 : i64, scratch_operands = 6 : i64, tpu.core_type = #tpu.core_type<sc_vector_subcore>, window_params = [{transform_indices = #map}, {transform_indices = #map1}, {transform_indices = #map1}]} {
    "tpu.region"() ({
      %run_scoped3A_259 = tpu.sem_alloc : memref<!tpu.dma_semaphore, #tpu.memory_space<semaphore_mem>>
      tpu.enqueue_dma source(%arg2 : memref<4096xi32, #tpu.memory_space<hbm>>) target(%arg5 : memref<4096xi32, #tpu.memory_space<vmem>>) target_semaphore(%run_scoped3A_259 : memref<!tpu.dma_semaphore, #tpu.memory_space<semaphore_mem>>)
      tpu.wait_dma2 semaphore(%run_scoped3A_259 : memref<!tpu.dma_semaphore, #tpu.memory_space<semaphore_mem>>) src(%arg2 : memref<4096xi32, #tpu.memory_space<hbm>>) dst(%arg5 : memref<4096xi32, #tpu.memory_space<vmem>>)
      tpu.yield
    }) : () -> ()
    "tpu.region"() ({
      %run_scoped3A_259 = tpu.sem_alloc : memref<!tpu.dma_semaphore, #tpu.memory_space<semaphore_mem>>
      tpu.enqueue_dma source(%arg3 : memref<16x32xf32, #tpu.memory_space<hbm>>) target(%arg6 : memref<16x32xf32, #tpu.memory_space<vmem>>) target_semaphore(%run_scoped3A_259 : memref<!tpu.dma_semaphore, #tpu.memory_space<semaphore_mem>>)
      tpu.wait_dma2 semaphore(%run_scoped3A_259 : memref<!tpu.dma_semaphore, #tpu.memory_space<semaphore_mem>>) src(%arg3 : memref<16x32xf32, #tpu.memory_space<hbm>>) dst(%arg6 : memref<16x32xf32, #tpu.memory_space<vmem>>)
      tpu.yield
    }) : () -> ()
    %mul3A = arith.constant 2 : i32
    %mul3A_0 = arith.muli %arg0, %mul3A : i32
    %add3A = arith.constant 0 : i32
    %add3A_1 = arith.addi %mul3A_0, %add3A : i32
    %broadcast_in_dim3A = vector.broadcast %add3A_1 : i32 to vector<16xi32>
    %parallel_loop3A = arith.constant 0 : i32
    %parallel_loop3A_2 = arith.constant 256 : i32
    %parallel_loop3A_3 = arith.constant 1 : i32
    scf.for %parallel_loop3A_259 = %parallel_loop3A to %parallel_loop3A_2 step %parallel_loop3A_3  : i32 {
      %parallel_loop3A_260 = arith.constant 16 : i32
      %parallel_loop3A_261 = arith.muli %parallel_loop3A_259, %parallel_loop3A_260 : i32
      %parallel_loop3A_262 = arith.index_cast %parallel_loop3A_261 : i32 to index
      %parallel_loop3A_263 = tpu.vector_load %arg5[%parallel_loop3A_262] {strides = array<i32>} : memref<4096xi32, #tpu.memory_space<vmem>>, vector<16xi32>,
      %parallel_loop3A_264 = tpu.vector_load_idx %arg6[%broadcast_in_dim3A, %parallel_loop3A_263] : memref<16x32xf32, #tpu.memory_space<vmem>>[vector<16xi32>, vector<16xi32>], vector<16xf32>,
      %parallel_loop3A_265 = arith.constant 16 : i32
      %parallel_loop3A_266 = arith.muli %parallel_loop3A_259, %parallel_loop3A_265 : i32
      %parallel_loop3A_267 = arith.constant 128 : i32
      %parallel_loop3A_268 = arith.addi %parallel_loop3A_267, %parallel_loop3A_266 : i32
      %parallel_loop3A_269 = arith.index_cast %parallel_loop3A_268 : i32 to index
      %parallel_loop3A_270 = tpu.vector_load %arg7[%parallel_loop3A_269] {strides = array<i32>} : memref<4224xf32, #tpu.memory_space<vmem>>, vector<16xf32>,
      tpu.vector_store %arg7[%parallel_loop3A_269], %parallel_loop3A_264 {strides = array<i32>} : memref<4224xf32, #tpu.memory_space<vmem>>, vector<16xf32>,
    } {sc.loop_unroll_factor = 4 : i64, sc.parallel_access}
    %mul3A_4 = arith.constant 8 : i32
    %mul3A_5 = arith.muli %mul3A_4, %arg1 : i32
    %add3A_6 = arith.constant 0 : i32
    %add3A_7 = arith.addi %mul3A_5, %add3A_6 : i32
    %add3A_8 = arith.constant 1 : i32
    %add3A_9 = arith.addi %add3A_7, %add3A_8 : i32
    %sub3A = arith.constant 128 : i32
    %sub3A_10 = arith.subi %sub3A, %add3A_9 : i32
    %parallel_loop3A_11 = arith.constant 8 : i32
    %parallel_loop3A_12 = arith.constant 256 : i32
    %parallel_loop3A_13 = arith.constant 1 : i32
    scf.for %parallel_loop3A_259 = %parallel_loop3A_11 to %parallel_loop3A_12 step %parallel_loop3A_13  : i32 {
      %parallel_loop3A_260 = arith.constant 16 : i32
      %parallel_loop3A_261 = arith.muli %parallel_loop3A_259, %parallel_loop3A_260 : i32
      %parallel_loop3A_262 = arith.addi %parallel_loop3A_261, %sub3A_10 : i32
      %parallel_loop3A_263 = arith.index_cast %parallel_loop3A_262 : i32 to index
      %parallel_loop3A_264 = tpu.vector_load %arg7[%parallel_loop3A_263] {strides = array<i32>} : memref<4224xf32, #tpu.memory_space<vmem>>, vector<16xf32>,
      %parallel_loop3A_265 = arith.constant 16 : i32
      %parallel_loop3A_266 = arith.muli %parallel_loop3A_259, %parallel_loop3A_265 : i32
      %parallel_loop3A_267 = arith.constant 0 : i32
      %parallel_loop3A_268 = arith.index_cast %parallel_loop3A_267 : i32 to index
      %parallel_loop3A_269 = arith.index_cast %parallel_loop3A_266 : i32 to index
      %parallel_loop3A_270 = tpu.vector_load %arg8[%parallel_loop3A_268, %parallel_loop3A_269] {strides = array<i32>} : memref<8x4096xf32, #tpu.memory_space<vmem>>, vector<16xf32>,
      tpu.vector_store %arg8[%parallel_loop3A_268, %parallel_loop3A_269], %parallel_loop3A_264 {strides = array<i32>} : memref<8x4096xf32, #tpu.memory_space<vmem>>, vector<16xf32>,
    } {sc.loop_unroll_factor = 4 : i64, sc.parallel_access}
    %mul3A_14 = arith.constant 8 : i32
    %mul3A_15 = arith.muli %mul3A_14, %arg1 : i32
    %add3A_16 = arith.constant 1 : i32
    %add3A_17 = arith.addi %mul3A_15, %add3A_16 : i32
    %add3A_18 = arith.constant 1 : i32
    %add3A_19 = arith.addi %add3A_17, %add3A_18 : i32
    %sub3A_20 = arith.constant 128 : i32
    %sub3A_21 = arith.subi %sub3A_20, %add3A_19 : i32
    %parallel_loop3A_22 = arith.constant 8 : i32
    %parallel_loop3A_23 = arith.constant 256 : i32
    %parallel_loop3A_24 = arith.constant 1 : i32
    scf.for %parallel_loop3A_259 = %parallel_loop3A_22 to %parallel_loop3A_23 step %parallel_loop3A_24  : i32 {
      %parallel_loop3A_260 = arith.constant 16 : i32
      %parallel_loop3A_261 = arith.muli %parallel_loop3A_259, %parallel_loop3A_260 : i32
      %parallel_loop3A_262 = arith.addi %parallel_loop3A_261, %sub3A_21 : i32
      %parallel_loop3A_263 = arith.index_cast %parallel_loop3A_262 : i32 to index
      %parallel_loop3A_264 = tpu.vector_load %arg7[%parallel_loop3A_263] {strides = array<i32>} : memref<4224xf32, #tpu.memory_space<vmem>>, vector<16xf32>,
      %parallel_loop3A_265 = arith.constant 16 : i32
      %parallel_loop3A_266 = arith.muli %parallel_loop3A_259, %parallel_loop3A_265 : i32
      %parallel_loop3A_267 = arith.constant 1 : i32
      %parallel_loop3A_268 = arith.index_cast %parallel_loop3A_267 : i32 to index
      %parallel_loop3A_269 = arith.index_cast %parallel_loop3A_266 : i32 to index
      %parallel_loop3A_270 = tpu.vector_load %arg8[%parallel_loop3A_268, %parallel_loop3A_269] {strides = array<i32>} : memref<8x4096xf32, #tpu.memory_space<vmem>>, vector<16xf32>,
      tpu.vector_store %arg8[%parallel_loop3A_268, %parallel_loop3A_269], %parallel_loop3A_264 {strides = array<i32>} : memref<8x4096xf32, #tpu.memory_space<vmem>>, vector<16xf32>,
    } {sc.loop_unroll_factor = 4 : i64, sc.parallel_access}
    %mul3A_25 = arith.constant 8 : i32
    %mul3A_26 = arith.muli %mul3A_25, %arg1 : i32
    %add3A_27 = arith.constant 2 : i32
    %add3A_28 = arith.addi %mul3A_26, %add3A_27 : i32
    %add3A_29 = arith.constant 1 : i32
    %add3A_30 = arith.addi %add3A_28, %add3A_29 : i32
    %sub3A_31 = arith.constant 128 : i32
    %sub3A_32 = arith.subi %sub3A_31, %add3A_30 : i32
    %parallel_loop3A_33 = arith.constant 8 : i32
    %parallel_loop3A_34 = arith.constant 256 : i32
    %parallel_loop3A_35 = arith.constant 1 : i32
    scf.for %parallel_loop3A_259 = %parallel_loop3A_33 to %parallel_loop3A_34 step %parallel_loop3A_35  : i32 {
      %parallel_loop3A_260 = arith.constant 16 : i32
      %parallel_loop3A_261 = arith.muli %parallel_loop3A_259, %parallel_loop3A_260 : i32
      %parallel_loop3A_262 = arith.addi %parallel_loop3A_261, %sub3A_32 : i32
      %parallel_loop3A_263 = arith.index_cast %parallel_loop3A_262 : i32 to index
      %parallel_loop3A_264 = tpu.vector_load %arg7[%parallel_loop3A_263] {strides = array<i32>} : memref<4224xf32, #tpu.memory_space<vmem>>, vector<16xf32>,
      %parallel_loop3A_265 = arith.constant 16 : i32
      %parallel_loop3A_266 = arith.muli %parallel_loop3A_259, %parallel_loop3A_265 : i32
      %parallel_loop3A_267 = arith.constant 2 : i32
      %parallel_loop3A_268 = arith.index_cast %parallel_loop3A_267 : i32 to index
      %parallel_loop3A_269 = arith.index_cast %parallel_loop3A_266 : i32 to index
      %parallel_loop3A_270 = tpu.vector_load %arg8[%parallel_loop3A_268, %parallel_loop3A_269] {strides = array<i32>} : memref<8x4096xf32, #tpu.memory_space<vmem>>, vector<16xf32>,
      tpu.vector_store %arg8[%parallel_loop3A_268, %parallel_loop3A_269], %parallel_loop3A_264 {strides = array<i32>} : memref<8x4096xf32, #tpu.memory_space<vmem>>, vector<16xf32>,
    } {sc.loop_unroll_factor = 4 : i64, sc.parallel_access}
    %mul3A_36 = arith.constant 8 : i32
    %mul3A_37 = arith.muli %mul3A_36, %arg1 : i32
    %add3A_38 = arith.constant 3 : i32
    %add3A_39 = arith.addi %mul3A_37, %add3A_38 : i32
    %add3A_40 = arith.constant 1 : i32
    %add3A_41 = arith.addi %add3A_39, %add3A_40 : i32
    %sub3A_42 = arith.constant 128 : i32
    %sub3A_43 = arith.subi %sub3A_42, %add3A_41 : i32
    %parallel_loop3A_44 = arith.constant 8 : i32
    %parallel_loop3A_45 = arith.constant 256 : i32
    %parallel_loop3A_46 = arith.constant 1 : i32
    scf.for %parallel_loop3A_259 = %parallel_loop3A_44 to %parallel_loop3A_45 step %parallel_loop3A_46  : i32 {
      %parallel_loop3A_260 = arith.constant 16 : i32
      %parallel_loop3A_261 = arith.muli %parallel_loop3A_259, %parallel_loop3A_260 : i32
      %parallel_loop3A_262 = arith.addi %parallel_loop3A_261, %sub3A_43 : i32
      %parallel_loop3A_263 = arith.index_cast %parallel_loop3A_262 : i32 to index
      %parallel_loop3A_264 = tpu.vector_load %arg7[%parallel_loop3A_263] {strides = array<i32>} : memref<4224xf32, #tpu.memory_space<vmem>>, vector<16xf32>,
      %parallel_loop3A_265 = arith.constant 16 : i32
      %parallel_loop3A_266 = arith.muli %parallel_loop3A_259, %parallel_loop3A_265 : i32
      %parallel_loop3A_267 = arith.constant 3 : i32
      %parallel_loop3A_268 = arith.index_cast %parallel_loop3A_267 : i32 to index
      %parallel_loop3A_269 = arith.index_cast %parallel_loop3A_266 : i32 to index
      %parallel_loop3A_270 = tpu.vector_load %arg8[%parallel_loop3A_268, %parallel_loop3A_269] {strides = array<i32>} : memref<8x4096xf32, #tpu.memory_space<vmem>>, vector<16xf32>,
      tpu.vector_store %arg8[%parallel_loop3A_268, %parallel_loop3A_269], %parallel_loop3A_264 {strides = array<i32>} : memref<8x4096xf32, #tpu.memory_space<vmem>>, vector<16xf32>,
    } {sc.loop_unroll_factor = 4 : i64, sc.parallel_access}
    %mul3A_47 = arith.constant 8 : i32
    %mul3A_48 = arith.muli %mul3A_47, %arg1 : i32
    %add3A_49 = arith.constant 4 : i32
    %add3A_50 = arith.addi %mul3A_48, %add3A_49 : i32
    %add3A_51 = arith.constant 1 : i32
    %add3A_52 = arith.addi %add3A_50, %add3A_51 : i32
    %sub3A_53 = arith.constant 128 : i32
    %sub3A_54 = arith.subi %sub3A_53, %add3A_52 : i32
    %parallel_loop3A_55 = arith.constant 8 : i32
    %parallel_loop3A_56 = arith.constant 256 : i32
    %parallel_loop3A_57 = arith.constant 1 : i32
    scf.for %parallel_loop3A_259 = %parallel_loop3A_55 to %parallel_loop3A_56 step %parallel_loop3A_57  : i32 {
      %parallel_loop3A_260 = arith.constant 16 : i32
      %parallel_loop3A_261 = arith.muli %parallel_loop3A_259, %parallel_loop3A_260 : i32
      %parallel_loop3A_262 = arith.addi %parallel_loop3A_261, %sub3A_54 : i32
      %parallel_loop3A_263 = arith.index_cast %parallel_loop3A_262 : i32 to index
      %parallel_loop3A_264 = tpu.vector_load %arg7[%parallel_loop3A_263] {strides = array<i32>} : memref<4224xf32, #tpu.memory_space<vmem>>, vector<16xf32>,
      %parallel_loop3A_265 = arith.constant 16 : i32
      %parallel_loop3A_266 = arith.muli %parallel_loop3A_259, %parallel_loop3A_265 : i32
      %parallel_loop3A_267 = arith.constant 4 : i32
      %parallel_loop3A_268 = arith.index_cast %parallel_loop3A_267 : i32 to index
      %parallel_loop3A_269 = arith.index_cast %parallel_loop3A_266 : i32 to index
      %parallel_loop3A_270 = tpu.vector_load %arg8[%parallel_loop3A_268, %parallel_loop3A_269] {strides = array<i32>} : memref<8x4096xf32, #tpu.memory_space<vmem>>, vector<16xf32>,
      tpu.vector_store %arg8[%parallel_loop3A_268, %parallel_loop3A_269], %parallel_loop3A_264 {strides = array<i32>} : memref<8x4096xf32, #tpu.memory_space<vmem>>, vector<16xf32>,
    } {sc.loop_unroll_factor = 4 : i64, sc.parallel_access}
    %mul3A_58 = arith.constant 8 : i32
    %mul3A_59 = arith.muli %mul3A_58, %arg1 : i32
    %add3A_60 = arith.constant 5 : i32
    %add3A_61 = arith.addi %mul3A_59, %add3A_60 : i32
    %add3A_62 = arith.constant 1 : i32
    %add3A_63 = arith.addi %add3A_61, %add3A_62 : i32
    %sub3A_64 = arith.constant 128 : i32
    %sub3A_65 = arith.subi %sub3A_64, %add3A_63 : i32
    %parallel_loop3A_66 = arith.constant 8 : i32
    %parallel_loop3A_67 = arith.constant 256 : i32
    %parallel_loop3A_68 = arith.constant 1 : i32
    scf.for %parallel_loop3A_259 = %parallel_loop3A_66 to %parallel_loop3A_67 step %parallel_loop3A_68  : i32 {
      %parallel_loop3A_260 = arith.constant 16 : i32
      %parallel_loop3A_261 = arith.muli %parallel_loop3A_259, %parallel_loop3A_260 : i32
      %parallel_loop3A_262 = arith.addi %parallel_loop3A_261, %sub3A_65 : i32
      %parallel_loop3A_263 = arith.index_cast %parallel_loop3A_262 : i32 to index
      %parallel_loop3A_264 = tpu.vector_load %arg7[%parallel_loop3A_263] {strides = array<i32>} : memref<4224xf32, #tpu.memory_space<vmem>>, vector<16xf32>,
      %parallel_loop3A_265 = arith.constant 16 : i32
      %parallel_loop3A_266 = arith.muli %parallel_loop3A_259, %parallel_loop3A_265 : i32
      %parallel_loop3A_267 = arith.constant 5 : i32
      %parallel_loop3A_268 = arith.index_cast %parallel_loop3A_267 : i32 to index
      %parallel_loop3A_269 = arith.index_cast %parallel_loop3A_266 : i32 to index
      %parallel_loop3A_270 = tpu.vector_load %arg8[%parallel_loop3A_268, %parallel_loop3A_269] {strides = array<i32>} : memref<8x4096xf32, #tpu.memory_space<vmem>>, vector<16xf32>,
      tpu.vector_store %arg8[%parallel_loop3A_268, %parallel_loop3A_269], %parallel_loop3A_264 {strides = array<i32>} : memref<8x4096xf32, #tpu.memory_space<vmem>>, vector<16xf32>,
    } {sc.loop_unroll_factor = 4 : i64, sc.parallel_access}
    %mul3A_69 = arith.constant 8 : i32
    %mul3A_70 = arith.muli %mul3A_69, %arg1 : i32
    %add3A_71 = arith.constant 6 : i32
    %add3A_72 = arith.addi %mul3A_70, %add3A_71 : i32
    %add3A_73 = arith.constant 1 : i32
    %add3A_74 = arith.addi %add3A_72, %add3A_73 : i32
    %sub3A_75 = arith.constant 128 : i32
    %sub3A_76 = arith.subi %sub3A_75, %add3A_74 : i32
    %parallel_loop3A_77 = arith.constant 8 : i32
    %parallel_loop3A_78 = arith.constant 256 : i32
    %parallel_loop3A_79 = arith.constant 1 : i32
    scf.for %parallel_loop3A_259 = %parallel_loop3A_77 to %parallel_loop3A_78 step %parallel_loop3A_79  : i32 {
      %parallel_loop3A_260 = arith.constant 16 : i32
      %parallel_loop3A_261 = arith.muli %parallel_loop3A_259, %parallel_loop3A_260 : i32
      %parallel_loop3A_262 = arith.addi %parallel_loop3A_261, %sub3A_76 : i32
      %parallel_loop3A_263 = arith.index_cast %parallel_loop3A_262 : i32 to index
      %parallel_loop3A_264 = tpu.vector_load %arg7[%parallel_loop3A_263] {strides = array<i32>} : memref<4224xf32, #tpu.memory_space<vmem>>, vector<16xf32>,
      %parallel_loop3A_265 = arith.constant 16 : i32
      %parallel_loop3A_266 = arith.muli %parallel_loop3A_259, %parallel_loop3A_265 : i32
      %parallel_loop3A_267 = arith.constant 6 : i32
      %parallel_loop3A_268 = arith.index_cast %parallel_loop3A_267 : i32 to index
      %parallel_loop3A_269 = arith.index_cast %parallel_loop3A_266 : i32 to index
      %parallel_loop3A_270 = tpu.vector_load %arg8[%parallel_loop3A_268, %parallel_loop3A_269] {strides = array<i32>} : memref<8x4096xf32, #tpu.memory_space<vmem>>, vector<16xf32>,
      tpu.vector_store %arg8[%parallel_loop3A_268, %parallel_loop3A_269], %parallel_loop3A_264 {strides = array<i32>} : memref<8x4096xf32, #tpu.memory_space<vmem>>, vector<16xf32>,
    } {sc.loop_unroll_factor = 4 : i64, sc.parallel_access}
    %mul3A_80 = arith.constant 8 : i32
    %mul3A_81 = arith.muli %mul3A_80, %arg1 : i32
    %add3A_82 = arith.constant 7 : i32
    %add3A_83 = arith.addi %mul3A_81, %add3A_82 : i32
    %add3A_84 = arith.constant 1 : i32
    %add3A_85 = arith.addi %add3A_83, %add3A_84 : i32
    %sub3A_86 = arith.constant 128 : i32
    %sub3A_87 = arith.subi %sub3A_86, %add3A_85 : i32
    %parallel_loop3A_88 = arith.constant 8 : i32
    %parallel_loop3A_89 = arith.constant 256 : i32
    %parallel_loop3A_90 = arith.constant 1 : i32
    scf.for %parallel_loop3A_259 = %parallel_loop3A_88 to %parallel_loop3A_89 step %parallel_loop3A_90  : i32 {
      %parallel_loop3A_260 = arith.constant 16 : i32
      %parallel_loop3A_261 = arith.muli %parallel_loop3A_259, %parallel_loop3A_260 : i32
      %parallel_loop3A_262 = arith.addi %parallel_loop3A_261, %sub3A_87 : i32
      %parallel_loop3A_263 = arith.index_cast %parallel_loop3A_262 : i32 to index
      %parallel_loop3A_264 = tpu.vector_load %arg7[%parallel_loop3A_263] {strides = array<i32>} : memref<4224xf32, #tpu.memory_space<vmem>>, vector<16xf32>,
      %parallel_loop3A_265 = arith.constant 16 : i32
      %parallel_loop3A_266 = arith.muli %parallel_loop3A_259, %parallel_loop3A_265 : i32
      %parallel_loop3A_267 = arith.constant 7 : i32
      %parallel_loop3A_268 = arith.index_cast %parallel_loop3A_267 : i32 to index
      %parallel_loop3A_269 = arith.index_cast %parallel_loop3A_266 : i32 to index
      %parallel_loop3A_270 = tpu.vector_load %arg8[%parallel_loop3A_268, %parallel_loop3A_269] {strides = array<i32>} : memref<8x4096xf32, #tpu.memory_space<vmem>>, vector<16xf32>,
      tpu.vector_store %arg8[%parallel_loop3A_268, %parallel_loop3A_269], %parallel_loop3A_264 {strides = array<i32>} : memref<8x4096xf32, #tpu.memory_space<vmem>>, vector<16xf32>,
    } {sc.loop_unroll_factor = 4 : i64, sc.parallel_access}
    %mul3A_91 = arith.constant 8 : i32
    %mul3A_92 = arith.muli %mul3A_91, %arg1 : i32
    %run_scoped3A = arith.constant 0 : i32
    "tpu.region"() ({
      %run_scoped3A_259 = tpu.sem_alloc : memref<!tpu.dma_semaphore, #tpu.memory_space<semaphore_mem>>
      %dma_start3A_260 = arith.constant 0 : i32
      %dma_start3A_261 = tpu.memref_slice %arg9[%run_scoped3A, %mul3A_92, %dma_start3A_260] : memref<2x128x4096xf32, #tpu.memory_space<vmem_shared>> -> memref<1x8x4096xf32, #tpu.memory_space<vmem_shared>>
      %dma_start3A_262 = tpu.memref_squeeze %dma_start3A_261 : memref<1x8x4096xf32, #tpu.memory_space<vmem_shared>> -> memref<8x4096xf32, #tpu.memory_space<vmem_shared>>
      %dma_start3A_263 = arith.constant 0 : i32
      %dma_start3A_264 = tpu.memref_slice %arg9[%run_scoped3A, %mul3A_92, %dma_start3A_263] : memref<2x128x4096xf32, #tpu.memory_space<vmem_shared>> -> memref<1x8x4096xf32, #tpu.memory_space<vmem_shared>>
      %dma_start3A_265 = tpu.memref_squeeze %dma_start3A_264 : memref<1x8x4096xf32, #tpu.memory_space<vmem_shared>> -> memref<8x4096xf32, #tpu.memory_space<vmem_shared>>
      tpu.enqueue_dma source(%arg8 : memref<8x4096xf32, #tpu.memory_space<vmem>>) target(%dma_start3A_265 : memref<8x4096xf32, #tpu.memory_space<vmem_shared>>) target_semaphore(%run_scoped3A_259 : memref<!tpu.dma_semaphore, #tpu.memory_space<semaphore_mem>>)
      %dma_wait3A_266 = arith.constant 0 : i32
      %dma_wait3A_267 = tpu.memref_slice %arg9[%run_scoped3A, %mul3A_92, %dma_wait3A_266] : memref<2x128x4096xf32, #tpu.memory_space<vmem_shared>> -> memref<1x8x4096xf32, #tpu.memory_space<vmem_shared>>
      %dma_wait3A_268 = tpu.memref_squeeze %dma_wait3A_267 : memref<1x8x4096xf32, #tpu.memory_space<vmem_shared>> -> memref<8x4096xf32, #tpu.memory_space<vmem_shared>>
      %dma_wait3A_269 = arith.constant 0 : i32
      %dma_wait3A_270 = tpu.memref_slice %arg9[%run_scoped3A, %mul3A_92, %dma_wait3A_269] : memref<2x128x4096xf32, #tpu.memory_space<vmem_shared>> -> memref<1x8x4096xf32, #tpu.memory_space<vmem_shared>>
      %dma_wait3A_271 = tpu.memref_squeeze %dma_wait3A_270 : memref<1x8x4096xf32, #tpu.memory_space<vmem_shared>> -> memref<8x4096xf32, #tpu.memory_space<vmem_shared>>
      tpu.wait_dma2 semaphore(%run_scoped3A_259 : memref<!tpu.dma_semaphore, #tpu.memory_space<semaphore_mem>>) src(%arg8 : memref<8x4096xf32, #tpu.memory_space<vmem>>) dst(%dma_wait3A_271 : memref<8x4096xf32, #tpu.memory_space<vmem_shared>>)
      tpu.yield
    }) : () -> ()
    %barrier3A = arith.constant 0 : index
    tpu.barrier barrier_id(%barrier3A)
    %mul3A_93 = arith.constant 2 : i32
    %mul3A_94 = arith.muli %arg0, %mul3A_93 : i32
    %add3A_95 = arith.constant 0 : i32
    %add3A_96 = arith.addi %mul3A_94, %add3A_95 : i32
    %mul3A_97 = arith.constant 128 : i32
    %mul3A_98 = arith.muli %mul3A_97, %arg1 : i32
    %sub3A_99 = arith.constant 2048 : i32
    %sub3A_100 = arith.subi %sub3A_99, %mul3A_98 : i32
    %mul3A_101 = arith.constant 2048 : i32
    %mul3A_102 = arith.muli %add3A_96, %mul3A_101 : i32
    %add3A_103 = arith.addi %mul3A_102, %mul3A_98 : i32
    %dma_start3A = arith.constant 0 : i32
    %dma_start3A_104 = arith.constant 0 : i32
    %dma_start3A_105 = tpu.memref_slice %arg4[%add3A_103, %dma_start3A_104] : memref<32768x2048xf32, #tpu.memory_space<hbm>> -> memref<128x2048xf32, #tpu.memory_space<hbm>>
    %dma_start3A_106 = arith.constant 0 : i32
    %dma_start3A_107 = tpu.memref_slice %arg9[%dma_start3A, %dma_start3A_106, %sub3A_100] : memref<2x128x4096xf32, #tpu.memory_space<vmem_shared>> -> memref<1x128x2048xf32, #tpu.memory_space<vmem_shared>>
    %dma_start3A_108 = tpu.memref_squeeze %dma_start3A_107 : memref<1x128x2048xf32, #tpu.memory_space<vmem_shared>> -> memref<128x2048xf32, #tpu.memory_space<vmem_shared>>
    tpu.enqueue_dma source(%dma_start3A_108 : memref<128x2048xf32, #tpu.memory_space<vmem_shared>>) target(%dma_start3A_105 : memref<128x2048xf32, #tpu.memory_space<hbm>>) target_semaphore(%arg10 : memref<!tpu.dma_semaphore, #tpu.memory_space<semaphore_mem>>)
    %mul3A_109 = arith.constant 2 : i32
    %mul3A_110 = arith.muli %arg0, %mul3A_109 : i32
    %add3A_111 = arith.constant 1 : i32
    %add3A_112 = arith.addi %mul3A_110, %add3A_111 : i32
    %broadcast_in_dim3A_113 = vector.broadcast %add3A_112 : i32 to vector<16xi32>
    %parallel_loop3A_114 = arith.constant 0 : i32
    %parallel_loop3A_115 = arith.constant 256 : i32
    %parallel_loop3A_116 = arith.constant 1 : i32
    scf.for %parallel_loop3A_259 = %parallel_loop3A_114 to %parallel_loop3A_115 step %parallel_loop3A_116  : i32 {
      %parallel_loop3A_260 = arith.constant 16 : i32
      %parallel_loop3A_261 = arith.muli %parallel_loop3A_259, %parallel_loop3A_260 : i32
      %parallel_loop3A_262 = arith.index_cast %parallel_loop3A_261 : i32 to index
      %parallel_loop3A_263 = tpu.vector_load %arg5[%parallel_loop3A_262] {strides = array<i32>} : memref<4096xi32, #tpu.memory_space<vmem>>, vector<16xi32>,
      %parallel_loop3A_264 = tpu.vector_load_idx %arg6[%broadcast_in_dim3A_113, %parallel_loop3A_263] : memref<16x32xf32, #tpu.memory_space<vmem>>[vector<16xi32>, vector<16xi32>], vector<16xf32>,
      %parallel_loop3A_265 = arith.constant 16 : i32
      %parallel_loop3A_266 = arith.muli %parallel_loop3A_259, %parallel_loop3A_265 : i32
      %parallel_loop3A_267 = arith.constant 128 : i32
      %parallel_loop3A_268 = arith.addi %parallel_loop3A_267, %parallel_loop3A_266 : i32
      %parallel_loop3A_269 = arith.index_cast %parallel_loop3A_268 : i32 to index
      %parallel_loop3A_270 = tpu.vector_load %arg7[%parallel_loop3A_269] {strides = array<i32>} : memref<4224xf32, #tpu.memory_space<vmem>>, vector<16xf32>,
      tpu.vector_store %arg7[%parallel_loop3A_269], %parallel_loop3A_264 {strides = array<i32>} : memref<4224xf32, #tpu.memory_space<vmem>>, vector<16xf32>,
    } {sc.loop_unroll_factor = 4 : i64, sc.parallel_access}
    %mul3A_117 = arith.constant 8 : i32
    %mul3A_118 = arith.muli %mul3A_117, %arg1 : i32
    %add3A_119 = arith.constant 0 : i32
    %add3A_120 = arith.addi %mul3A_118, %add3A_119 : i32
    %add3A_121 = arith.constant 1 : i32
    %add3A_122 = arith.addi %add3A_120, %add3A_121 : i32
    %sub3A_123 = arith.constant 128 : i32
    %sub3A_124 = arith.subi %sub3A_123, %add3A_122 : i32
    %parallel_loop3A_125 = arith.constant 8 : i32
    %parallel_loop3A_126 = arith.constant 256 : i32
    %parallel_loop3A_127 = arith.constant 1 : i32
    scf.for %parallel_loop3A_259 = %parallel_loop3A_125 to %parallel_loop3A_126 step %parallel_loop3A_127  : i32 {
      %parallel_loop3A_260 = arith.constant 16 : i32
      %parallel_loop3A_261 = arith.muli %parallel_loop3A_259, %parallel_loop3A_260 : i32
      %parallel_loop3A_262 = arith.addi %parallel_loop3A_261, %sub3A_124 : i32
      %parallel_loop3A_263 = arith.index_cast %parallel_loop3A_262 : i32 to index
      %parallel_loop3A_264 = tpu.vector_load %arg7[%parallel_loop3A_263] {strides = array<i32>} : memref<4224xf32, #tpu.memory_space<vmem>>, vector<16xf32>,
      %parallel_loop3A_265 = arith.constant 16 : i32
      %parallel_loop3A_266 = arith.muli %parallel_loop3A_259, %parallel_loop3A_265 : i32
      %parallel_loop3A_267 = arith.constant 0 : i32
      %parallel_loop3A_268 = arith.index_cast %parallel_loop3A_267 : i32 to index
      %parallel_loop3A_269 = arith.index_cast %parallel_loop3A_266 : i32 to index
      %parallel_loop3A_270 = tpu.vector_load %arg8[%parallel_loop3A_268, %parallel_loop3A_269] {strides = array<i32>} : memref<8x4096xf32, #tpu.memory_space<vmem>>, vector<16xf32>,
      tpu.vector_store %arg8[%parallel_loop3A_268, %parallel_loop3A_269], %parallel_loop3A_264 {strides = array<i32>} : memref<8x4096xf32, #tpu.memory_space<vmem>>, vector<16xf32>,
    } {sc.loop_unroll_factor = 4 : i64, sc.parallel_access}
    %mul3A_128 = arith.constant 8 : i32
    %mul3A_129 = arith.muli %mul3A_128, %arg1 : i32
    %add3A_130 = arith.constant 1 : i32
    %add3A_131 = arith.addi %mul3A_129, %add3A_130 : i32
    %add3A_132 = arith.constant 1 : i32
    %add3A_133 = arith.addi %add3A_131, %add3A_132 : i32
    %sub3A_134 = arith.constant 128 : i32
    %sub3A_135 = arith.subi %sub3A_134, %add3A_133 : i32
    %parallel_loop3A_136 = arith.constant 8 : i32
    %parallel_loop3A_137 = arith.constant 256 : i32
    %parallel_loop3A_138 = arith.constant 1 : i32
    scf.for %parallel_loop3A_259 = %parallel_loop3A_136 to %parallel_loop3A_137 step %parallel_loop3A_138  : i32 {
      %parallel_loop3A_260 = arith.constant 16 : i32
      %parallel_loop3A_261 = arith.muli %parallel_loop3A_259, %parallel_loop3A_260 : i32
      %parallel_loop3A_262 = arith.addi %parallel_loop3A_261, %sub3A_135 : i32
      %parallel_loop3A_263 = arith.index_cast %parallel_loop3A_262 : i32 to index
      %parallel_loop3A_264 = tpu.vector_load %arg7[%parallel_loop3A_263] {strides = array<i32>} : memref<4224xf32, #tpu.memory_space<vmem>>, vector<16xf32>,
      %parallel_loop3A_265 = arith.constant 16 : i32
      %parallel_loop3A_266 = arith.muli %parallel_loop3A_259, %parallel_loop3A_265 : i32
      %parallel_loop3A_267 = arith.constant 1 : i32
      %parallel_loop3A_268 = arith.index_cast %parallel_loop3A_267 : i32 to index
      %parallel_loop3A_269 = arith.index_cast %parallel_loop3A_266 : i32 to index
      %parallel_loop3A_270 = tpu.vector_load %arg8[%parallel_loop3A_268, %parallel_loop3A_269] {strides = array<i32>} : memref<8x4096xf32, #tpu.memory_space<vmem>>, vector<16xf32>,
      tpu.vector_store %arg8[%parallel_loop3A_268, %parallel_loop3A_269], %parallel_loop3A_264 {strides = array<i32>} : memref<8x4096xf32, #tpu.memory_space<vmem>>, vector<16xf32>,
    } {sc.loop_unroll_factor = 4 : i64, sc.parallel_access}
    %mul3A_139 = arith.constant 8 : i32
    %mul3A_140 = arith.muli %mul3A_139, %arg1 : i32
    %add3A_141 = arith.constant 2 : i32
    %add3A_142 = arith.addi %mul3A_140, %add3A_141 : i32
    %add3A_143 = arith.constant 1 : i32
    %add3A_144 = arith.addi %add3A_142, %add3A_143 : i32
    %sub3A_145 = arith.constant 128 : i32
    %sub3A_146 = arith.subi %sub3A_145, %add3A_144 : i32
    %parallel_loop3A_147 = arith.constant 8 : i32
    %parallel_loop3A_148 = arith.constant 256 : i32
    %parallel_loop3A_149 = arith.constant 1 : i32
    scf.for %parallel_loop3A_259 = %parallel_loop3A_147 to %parallel_loop3A_148 step %parallel_loop3A_149  : i32 {
      %parallel_loop3A_260 = arith.constant 16 : i32
      %parallel_loop3A_261 = arith.muli %parallel_loop3A_259, %parallel_loop3A_260 : i32
      %parallel_loop3A_262 = arith.addi %parallel_loop3A_261, %sub3A_146 : i32
      %parallel_loop3A_263 = arith.index_cast %parallel_loop3A_262 : i32 to index
      %parallel_loop3A_264 = tpu.vector_load %arg7[%parallel_loop3A_263] {strides = array<i32>} : memref<4224xf32, #tpu.memory_space<vmem>>, vector<16xf32>,
      %parallel_loop3A_265 = arith.constant 16 : i32
      %parallel_loop3A_266 = arith.muli %parallel_loop3A_259, %parallel_loop3A_265 : i32
      %parallel_loop3A_267 = arith.constant 2 : i32
      %parallel_loop3A_268 = arith.index_cast %parallel_loop3A_267 : i32 to index
      %parallel_loop3A_269 = arith.index_cast %parallel_loop3A_266 : i32 to index
      %parallel_loop3A_270 = tpu.vector_load %arg8[%parallel_loop3A_268, %parallel_loop3A_269] {strides = array<i32>} : memref<8x4096xf32, #tpu.memory_space<vmem>>, vector<16xf32>,
      tpu.vector_store %arg8[%parallel_loop3A_268, %parallel_loop3A_269], %parallel_loop3A_264 {strides = array<i32>} : memref<8x4096xf32, #tpu.memory_space<vmem>>, vector<16xf32>,
    } {sc.loop_unroll_factor = 4 : i64, sc.parallel_access}
    %mul3A_150 = arith.constant 8 : i32
    %mul3A_151 = arith.muli %mul3A_150, %arg1 : i32
    %add3A_152 = arith.constant 3 : i32
    %add3A_153 = arith.addi %mul3A_151, %add3A_152 : i32
    %add3A_154 = arith.constant 1 : i32
    %add3A_155 = arith.addi %add3A_153, %add3A_154 : i32
    %sub3A_156 = arith.constant 128 : i32
    %sub3A_157 = arith.subi %sub3A_156, %add3A_155 : i32
    %parallel_loop3A_158 = arith.constant 8 : i32
    %parallel_loop3A_159 = arith.constant 256 : i32
    %parallel_loop3A_160 = arith.constant 1 : i32
    scf.for %parallel_loop3A_259 = %parallel_loop3A_158 to %parallel_loop3A_159 step %parallel_loop3A_160  : i32 {
      %parallel_loop3A_260 = arith.constant 16 : i32
      %parallel_loop3A_261 = arith.muli %parallel_loop3A_259, %parallel_loop3A_260 : i32
      %parallel_loop3A_262 = arith.addi %parallel_loop3A_261, %sub3A_157 : i32
      %parallel_loop3A_263 = arith.index_cast %parallel_loop3A_262 : i32 to index
      %parallel_loop3A_264 = tpu.vector_load %arg7[%parallel_loop3A_263] {strides = array<i32>} : memref<4224xf32, #tpu.memory_space<vmem>>, vector<16xf32>,
      %parallel_loop3A_265 = arith.constant 16 : i32
      %parallel_loop3A_266 = arith.muli %parallel_loop3A_259, %parallel_loop3A_265 : i32
      %parallel_loop3A_267 = arith.constant 3 : i32
      %parallel_loop3A_268 = arith.index_cast %parallel_loop3A_267 : i32 to index
      %parallel_loop3A_269 = arith.index_cast %parallel_loop3A_266 : i32 to index
      %parallel_loop3A_270 = tpu.vector_load %arg8[%parallel_loop3A_268, %parallel_loop3A_269] {strides = array<i32>} : memref<8x4096xf32, #tpu.memory_space<vmem>>, vector<16xf32>,
      tpu.vector_store %arg8[%parallel_loop3A_268, %parallel_loop3A_269], %parallel_loop3A_264 {strides = array<i32>} : memref<8x4096xf32, #tpu.memory_space<vmem>>, vector<16xf32>,
    } {sc.loop_unroll_factor = 4 : i64, sc.parallel_access}
    %mul3A_161 = arith.constant 8 : i32
    %mul3A_162 = arith.muli %mul3A_161, %arg1 : i32
    %add3A_163 = arith.constant 4 : i32
    %add3A_164 = arith.addi %mul3A_162, %add3A_163 : i32
    %add3A_165 = arith.constant 1 : i32
    %add3A_166 = arith.addi %add3A_164, %add3A_165 : i32
    %sub3A_167 = arith.constant 128 : i32
    %sub3A_168 = arith.subi %sub3A_167, %add3A_166 : i32
    %parallel_loop3A_169 = arith.constant 8 : i32
    %parallel_loop3A_170 = arith.constant 256 : i32
    %parallel_loop3A_171 = arith.constant 1 : i32
    scf.for %parallel_loop3A_259 = %parallel_loop3A_169 to %parallel_loop3A_170 step %parallel_loop3A_171  : i32 {
      %parallel_loop3A_260 = arith.constant 16 : i32
      %parallel_loop3A_261 = arith.muli %parallel_loop3A_259, %parallel_loop3A_260 : i32
      %parallel_loop3A_262 = arith.addi %parallel_loop3A_261, %sub3A_168 : i32
      %parallel_loop3A_263 = arith.index_cast %parallel_loop3A_262 : i32 to index
      %parallel_loop3A_264 = tpu.vector_load %arg7[%parallel_loop3A_263] {strides = array<i32>} : memref<4224xf32, #tpu.memory_space<vmem>>, vector<16xf32>,
      %parallel_loop3A_265 = arith.constant 16 : i32
      %parallel_loop3A_266 = arith.muli %parallel_loop3A_259, %parallel_loop3A_265 : i32
      %parallel_loop3A_267 = arith.constant 4 : i32
      %parallel_loop3A_268 = arith.index_cast %parallel_loop3A_267 : i32 to index
      %parallel_loop3A_269 = arith.index_cast %parallel_loop3A_266 : i32 to index
      %parallel_loop3A_270 = tpu.vector_load %arg8[%parallel_loop3A_268, %parallel_loop3A_269] {strides = array<i32>} : memref<8x4096xf32, #tpu.memory_space<vmem>>, vector<16xf32>,
      tpu.vector_store %arg8[%parallel_loop3A_268, %parallel_loop3A_269], %parallel_loop3A_264 {strides = array<i32>} : memref<8x4096xf32, #tpu.memory_space<vmem>>, vector<16xf32>,
    } {sc.loop_unroll_factor = 4 : i64, sc.parallel_access}
    %mul3A_172 = arith.constant 8 : i32
    %mul3A_173 = arith.muli %mul3A_172, %arg1 : i32
    %add3A_174 = arith.constant 5 : i32
    %add3A_175 = arith.addi %mul3A_173, %add3A_174 : i32
    %add3A_176 = arith.constant 1 : i32
    %add3A_177 = arith.addi %add3A_175, %add3A_176 : i32
    %sub3A_178 = arith.constant 128 : i32
    %sub3A_179 = arith.subi %sub3A_178, %add3A_177 : i32
    %parallel_loop3A_180 = arith.constant 8 : i32
    %parallel_loop3A_181 = arith.constant 256 : i32
    %parallel_loop3A_182 = arith.constant 1 : i32
    scf.for %parallel_loop3A_259 = %parallel_loop3A_180 to %parallel_loop3A_181 step %parallel_loop3A_182  : i32 {
      %parallel_loop3A_260 = arith.constant 16 : i32
      %parallel_loop3A_261 = arith.muli %parallel_loop3A_259, %parallel_loop3A_260 : i32
      %parallel_loop3A_262 = arith.addi %parallel_loop3A_261, %sub3A_179 : i32
      %parallel_loop3A_263 = arith.index_cast %parallel_loop3A_262 : i32 to index
      %parallel_loop3A_264 = tpu.vector_load %arg7[%parallel_loop3A_263] {strides = array<i32>} : memref<4224xf32, #tpu.memory_space<vmem>>, vector<16xf32>,
      %parallel_loop3A_265 = arith.constant 16 : i32
      %parallel_loop3A_266 = arith.muli %parallel_loop3A_259, %parallel_loop3A_265 : i32
      %parallel_loop3A_267 = arith.constant 5 : i32
      %parallel_loop3A_268 = arith.index_cast %parallel_loop3A_267 : i32 to index
      %parallel_loop3A_269 = arith.index_cast %parallel_loop3A_266 : i32 to index
      %parallel_loop3A_270 = tpu.vector_load %arg8[%parallel_loop3A_268, %parallel_loop3A_269] {strides = array<i32>} : memref<8x4096xf32, #tpu.memory_space<vmem>>, vector<16xf32>,
      tpu.vector_store %arg8[%parallel_loop3A_268, %parallel_loop3A_269], %parallel_loop3A_264 {strides = array<i32>} : memref<8x4096xf32, #tpu.memory_space<vmem>>, vector<16xf32>,
    } {sc.loop_unroll_factor = 4 : i64, sc.parallel_access}
    %mul3A_183 = arith.constant 8 : i32
    %mul3A_184 = arith.muli %mul3A_183, %arg1 : i32
    %add3A_185 = arith.constant 6 : i32
    %add3A_186 = arith.addi %mul3A_184, %add3A_185 : i32
    %add3A_187 = arith.constant 1 : i32
    %add3A_188 = arith.addi %add3A_186, %add3A_187 : i32
    %sub3A_189 = arith.constant 128 : i32
    %sub3A_190 = arith.subi %sub3A_189, %add3A_188 : i32
    %parallel_loop3A_191 = arith.constant 8 : i32
    %parallel_loop3A_192 = arith.constant 256 : i32
    %parallel_loop3A_193 = arith.constant 1 : i32
    scf.for %parallel_loop3A_259 = %parallel_loop3A_191 to %parallel_loop3A_192 step %parallel_loop3A_193  : i32 {
      %parallel_loop3A_260 = arith.constant 16 : i32
      %parallel_loop3A_261 = arith.muli %parallel_loop3A_259, %parallel_loop3A_260 : i32
      %parallel_loop3A_262 = arith.addi %parallel_loop3A_261, %sub3A_190 : i32
      %parallel_loop3A_263 = arith.index_cast %parallel_loop3A_262 : i32 to index
      %parallel_loop3A_264 = tpu.vector_load %arg7[%parallel_loop3A_263] {strides = array<i32>} : memref<4224xf32, #tpu.memory_space<vmem>>, vector<16xf32>,
      %parallel_loop3A_265 = arith.constant 16 : i32
      %parallel_loop3A_266 = arith.muli %parallel_loop3A_259, %parallel_loop3A_265 : i32
      %parallel_loop3A_267 = arith.constant 6 : i32
      %parallel_loop3A_268 = arith.index_cast %parallel_loop3A_267 : i32 to index
      %parallel_loop3A_269 = arith.index_cast %parallel_loop3A_266 : i32 to index
      %parallel_loop3A_270 = tpu.vector_load %arg8[%parallel_loop3A_268, %parallel_loop3A_269] {strides = array<i32>} : memref<8x4096xf32, #tpu.memory_space<vmem>>, vector<16xf32>,
      tpu.vector_store %arg8[%parallel_loop3A_268, %parallel_loop3A_269], %parallel_loop3A_264 {strides = array<i32>} : memref<8x4096xf32, #tpu.memory_space<vmem>>, vector<16xf32>,
    } {sc.loop_unroll_factor = 4 : i64, sc.parallel_access}
    %mul3A_194 = arith.constant 8 : i32
    %mul3A_195 = arith.muli %mul3A_194, %arg1 : i32
    %add3A_196 = arith.constant 7 : i32
    %add3A_197 = arith.addi %mul3A_195, %add3A_196 : i32
    %add3A_198 = arith.constant 1 : i32
    %add3A_199 = arith.addi %add3A_197, %add3A_198 : i32
    %sub3A_200 = arith.constant 128 : i32
    %sub3A_201 = arith.subi %sub3A_200, %add3A_199 : i32
    %parallel_loop3A_202 = arith.constant 8 : i32
    %parallel_loop3A_203 = arith.constant 256 : i32
    %parallel_loop3A_204 = arith.constant 1 : i32
    scf.for %parallel_loop3A_259 = %parallel_loop3A_202 to %parallel_loop3A_203 step %parallel_loop3A_204  : i32 {
      %parallel_loop3A_260 = arith.constant 16 : i32
      %parallel_loop3A_261 = arith.muli %parallel_loop3A_259, %parallel_loop3A_260 : i32
      %parallel_loop3A_262 = arith.addi %parallel_loop3A_261, %sub3A_201 : i32
      %parallel_loop3A_263 = arith.index_cast %parallel_loop3A_262 : i32 to index
      %parallel_loop3A_264 = tpu.vector_load %arg7[%parallel_loop3A_263] {strides = array<i32>} : memref<4224xf32, #tpu.memory_space<vmem>>, vector<16xf32>,
      %parallel_loop3A_265 = arith.constant 16 : i32
      %parallel_loop3A_266 = arith.muli %parallel_loop3A_259, %parallel_loop3A_265 : i32
      %parallel_loop3A_267 = arith.constant 7 : i32
      %parallel_loop3A_268 = arith.index_cast %parallel_loop3A_267 : i32 to index
      %parallel_loop3A_269 = arith.index_cast %parallel_loop3A_266 : i32 to index
      %parallel_loop3A_270 = tpu.vector_load %arg8[%parallel_loop3A_268, %parallel_loop3A_269] {strides = array<i32>} : memref<8x4096xf32, #tpu.memory_space<vmem>>, vector<16xf32>,
      tpu.vector_store %arg8[%parallel_loop3A_268, %parallel_loop3A_269], %parallel_loop3A_264 {strides = array<i32>} : memref<8x4096xf32, #tpu.memory_space<vmem>>, vector<16xf32>,
    } {sc.loop_unroll_factor = 4 : i64, sc.parallel_access}
    %mul3A_205 = arith.constant 8 : i32
    %mul3A_206 = arith.muli %mul3A_205, %arg1 : i32
    %run_scoped3A_207 = arith.constant 1 : i32
    "tpu.region"() ({
      %run_scoped3A_259 = tpu.sem_alloc : memref<!tpu.dma_semaphore, #tpu.memory_space<semaphore_mem>>
      %dma_start3A_260 = arith.constant 0 : i32
      %dma_start3A_261 = tpu.memref_slice %arg9[%run_scoped3A_207, %mul3A_206, %dma_start3A_260] : memref<2x128x4096xf32, #tpu.memory_space<vmem_shared>> -> memref<1x8x4096xf32, #tpu.memory_space<vmem_shared>>
      %dma_start3A_262 = tpu.memref_squeeze %dma_start3A_261 : memref<1x8x4096xf32, #tpu.memory_space<vmem_shared>> -> memref<8x4096xf32, #tpu.memory_space<vmem_shared>>
      %dma_start3A_263 = arith.constant 0 : i32
      %dma_start3A_264 = tpu.memref_slice %arg9[%run_scoped3A_207, %mul3A_206, %dma_start3A_263] : memref<2x128x4096xf32, #tpu.memory_space<vmem_shared>> -> memref<1x8x4096xf32, #tpu.memory_space<vmem_shared>>
      %dma_start3A_265 = tpu.memref_squeeze %dma_start3A_264 : memref<1x8x4096xf32, #tpu.memory_space<vmem_shared>> -> memref<8x4096xf32, #tpu.memory_space<vmem_shared>>
      tpu.enqueue_dma source(%arg8 : memref<8x4096xf32, #tpu.memory_space<vmem>>) target(%dma_start3A_265 : memref<8x4096xf32, #tpu.memory_space<vmem_shared>>) target_semaphore(%run_scoped3A_259 : memref<!tpu.dma_semaphore, #tpu.memory_space<semaphore_mem>>)
      %dma_wait3A_266 = arith.constant 0 : i32
      %dma_wait3A_267 = tpu.memref_slice %arg9[%run_scoped3A_207, %mul3A_206, %dma_wait3A_266] : memref<2x128x4096xf32, #tpu.memory_space<vmem_shared>> -> memref<1x8x4096xf32, #tpu.memory_space<vmem_shared>>
      %dma_wait3A_268 = tpu.memref_squeeze %dma_wait3A_267 : memref<1x8x4096xf32, #tpu.memory_space<vmem_shared>> -> memref<8x4096xf32, #tpu.memory_space<vmem_shared>>
      %dma_wait3A_269 = arith.constant 0 : i32
      %dma_wait3A_270 = tpu.memref_slice %arg9[%run_scoped3A_207, %mul3A_206, %dma_wait3A_269] : memref<2x128x4096xf32, #tpu.memory_space<vmem_shared>> -> memref<1x8x4096xf32, #tpu.memory_space<vmem_shared>>
      %dma_wait3A_271 = tpu.memref_squeeze %dma_wait3A_270 : memref<1x8x4096xf32, #tpu.memory_space<vmem_shared>> -> memref<8x4096xf32, #tpu.memory_space<vmem_shared>>
      tpu.wait_dma2 semaphore(%run_scoped3A_259 : memref<!tpu.dma_semaphore, #tpu.memory_space<semaphore_mem>>) src(%arg8 : memref<8x4096xf32, #tpu.memory_space<vmem>>) dst(%dma_wait3A_271 : memref<8x4096xf32, #tpu.memory_space<vmem_shared>>)
      tpu.yield
    }) : () -> ()
    %barrier3A_208 = arith.constant 0 : index
    tpu.barrier barrier_id(%barrier3A_208)
    %mul3A_209 = arith.constant 2 : i32
    %mul3A_210 = arith.muli %arg0, %mul3A_209 : i32
    %add3A_211 = arith.constant 1 : i32
    %add3A_212 = arith.addi %mul3A_210, %add3A_211 : i32
    %mul3A_213 = arith.constant 128 : i32
    %mul3A_214 = arith.muli %mul3A_213, %arg1 : i32
    %sub3A_215 = arith.constant 2048 : i32
    %sub3A_216 = arith.subi %sub3A_215, %mul3A_214 : i32
    %mul3A_217 = arith.constant 2048 : i32
    %mul3A_218 = arith.muli %add3A_212, %mul3A_217 : i32
    %add3A_219 = arith.addi %mul3A_218, %mul3A_214 : i32
    %dma_start3A_220 = arith.constant 1 : i32
    %dma_start3A_221 = arith.constant 0 : i32
    %dma_start3A_222 = tpu.memref_slice %arg4[%add3A_219, %dma_start3A_221] : memref<32768x2048xf32, #tpu.memory_space<hbm>> -> memref<128x2048xf32, #tpu.memory_space<hbm>>
    %dma_start3A_223 = arith.constant 0 : i32
    %dma_start3A_224 = tpu.memref_slice %arg9[%dma_start3A_220, %dma_start3A_223, %sub3A_216] : memref<2x128x4096xf32, #tpu.memory_space<vmem_shared>> -> memref<1x128x2048xf32, #tpu.memory_space<vmem_shared>>
    %dma_start3A_225 = tpu.memref_squeeze %dma_start3A_224 : memref<1x128x2048xf32, #tpu.memory_space<vmem_shared>> -> memref<128x2048xf32, #tpu.memory_space<vmem_shared>>
    tpu.enqueue_dma source(%dma_start3A_225 : memref<128x2048xf32, #tpu.memory_space<vmem_shared>>) target(%dma_start3A_222 : memref<128x2048xf32, #tpu.memory_space<hbm>>) target_semaphore(%arg10 : memref<!tpu.dma_semaphore, #tpu.memory_space<semaphore_mem>>)
    %mul3A_226 = arith.constant 2 : i32
    %mul3A_227 = arith.muli %arg0, %mul3A_226 : i32
    %add3A_228 = arith.constant 0 : i32
    %add3A_229 = arith.addi %mul3A_227, %add3A_228 : i32
    %mul3A_230 = arith.constant 128 : i32
    %mul3A_231 = arith.muli %mul3A_230, %arg1 : i32
    %sub3A_232 = arith.constant 2048 : i32
    %sub3A_233 = arith.subi %sub3A_232, %mul3A_231 : i32
    %mul3A_234 = arith.constant 2048 : i32
    %mul3A_235 = arith.muli %add3A_229, %mul3A_234 : i32
    %add3A_236 = arith.addi %mul3A_235, %mul3A_231 : i32
    %dma_wait3A = arith.constant 0 : i32
    %dma_wait3A_237 = arith.constant 0 : i32
    %dma_wait3A_238 = tpu.memref_slice %arg4[%add3A_236, %dma_wait3A_237] : memref<32768x2048xf32, #tpu.memory_space<hbm>> -> memref<128x2048xf32, #tpu.memory_space<hbm>>
    %dma_wait3A_239 = arith.constant 0 : i32
    %dma_wait3A_240 = tpu.memref_slice %arg9[%dma_wait3A, %dma_wait3A_239, %sub3A_233] : memref<2x128x4096xf32, #tpu.memory_space<vmem_shared>> -> memref<1x128x2048xf32, #tpu.memory_space<vmem_shared>>
    %dma_wait3A_241 = tpu.memref_squeeze %dma_wait3A_240 : memref<1x128x2048xf32, #tpu.memory_space<vmem_shared>> -> memref<128x2048xf32, #tpu.memory_space<vmem_shared>>
    tpu.wait_dma2 semaphore(%arg10 : memref<!tpu.dma_semaphore, #tpu.memory_space<semaphore_mem>>) src(%dma_wait3A_241 : memref<128x2048xf32, #tpu.memory_space<vmem_shared>>) dst(%dma_wait3A_238 : memref<128x2048xf32, #tpu.memory_space<hbm>>)
    %mul3A_242 = arith.constant 2 : i32
    %mul3A_243 = arith.muli %arg0, %mul3A_242 : i32
    %add3A_244 = arith.constant 1 : i32
    %add3A_245 = arith.addi %mul3A_243, %add3A_244 : i32
    %mul3A_246 = arith.constant 128 : i32
    %mul3A_247 = arith.muli %mul3A_246, %arg1 : i32
    %sub3A_248 = arith.constant 2048 : i32
    %sub3A_249 = arith.subi %sub3A_248, %mul3A_247 : i32
    %mul3A_250 = arith.constant 2048 : i32
    %mul3A_251 = arith.muli %add3A_245, %mul3A_250 : i32
    %add3A_252 = arith.addi %mul3A_251, %mul3A_247 : i32
    %dma_wait3A_253 = arith.constant 1 : i32
    %dma_wait3A_254 = arith.constant 0 : i32
    %dma_wait3A_255 = tpu.memref_slice %arg4[%add3A_252, %dma_wait3A_254] : memref<32768x2048xf32, #tpu.memory_space<hbm>> -> memref<128x2048xf32, #tpu.memory_space<hbm>>
    %dma_wait3A_256 = arith.constant 0 : i32
    %dma_wait3A_257 = tpu.memref_slice %arg9[%dma_wait3A_253, %dma_wait3A_256, %sub3A_249] : memref<2x128x4096xf32, #tpu.memory_space<vmem_shared>> -> memref<1x128x2048xf32, #tpu.memory_space<vmem_shared>>
    %dma_wait3A_258 = tpu.memref_squeeze %dma_wait3A_257 : memref<1x128x2048xf32, #tpu.memory_space<vmem_shared>> -> memref<128x2048xf32, #tpu.memory_space<vmem_shared>>
    tpu.wait_dma2 semaphore(%arg10 : memref<!tpu.dma_semaphore, #tpu.memory_space<semaphore_mem>>) src(%dma_wait3A_258 : memref<128x2048xf32, #tpu.memory_space<vmem_shared>>) dst(%dma_wait3A_255 : memref<128x2048xf32, #tpu.memory_space<hbm>>)
    return
  }
}

module attributes {stable_mosaic.version = 14 : i64} {
  func.func @_tc_body(%arg0: i32, %arg1: i32, %arg2: memref<16x32xf32, #tpu.memory_space<vmem>>, %arg3: memref<32x4096xf32, #tpu.memory_space<vmem>>, %arg4: memref<32768x2048xf32, #tpu.memory_space<any>>, %arg5: memref<512x2048xf32, #tpu.memory_space<vmem>>) attributes {dimension_semantics = [#tpu.dimension_semantics<arbitrary>, #tpu.dimension_semantics<arbitrary>], iteration_bounds = array<i64: 12, 4>, scalar_prefetch = 0 : i64, scratch_operands = 0 : i64, tpu.core_type = #tpu.core_type<tc>, window_params = [{pipeline_mode = #tpu.pipeline_mode<synchronous>, transform_indices = @transform_0, window_bounds = array<i64: 16, 32>}, {pipeline_mode = #tpu.pipeline_mode<synchronous>, transform_indices = @transform_1, window_bounds = array<i64: 32, 4096>}, {}, {transform_indices = @transform_3, window_bounds = array<i64: 512, 2048>}]} {
    %add3A = arith.constant 4 : i32
    %add3A_0 = arith.addi %arg0, %add3A : i32
    %get3A = arith.index_cast %add3A_0 : i32 to index
    %get3A_1 = arith.constant 0 : index
    %get3A_2 = vector.load %arg2[%get3A, %get3A_1] : memref<16x32xf32, #tpu.memory_space<vmem>>, vector<1x32xf32>
    %get3A_3 = arith.constant 0 : index
    %get3A_4 = arith.constant 0 : index
    %get3A_5 = vector.load %arg3[%get3A_3, %get3A_4] : memref<32x4096xf32, #tpu.memory_space<vmem>>, vector<32x4096xf32>
    %dot_general3A = arith.constant dense<0.000000e+00> : vector<1x4096xf32>
    %dot_general3A_6 = tpu.matmul %get3A_2, %get3A_5, %dot_general3A {dimension_numbers = #tpu.dot_dimension_numbers<[1], [0], [0], [1], [0, 0, 1, 1], [], []>, transpose_lhs_hint = false} : vector<1x32xf32>, vector<32x4096xf32>, vector<1x4096xf32> -> vector<1x4096xf32>
    %mul3A = arith.constant 512 : i32
    %mul3A_7 = arith.muli %arg1, %mul3A : i32
    %add3A_8 = arith.constant 4096 : i32
    %add3A_9 = arith.addi %mul3A_7, %add3A_8 : i32
    %sub3A = arith.constant 2047 : i32
    %sub3A_10 = arith.subi %add3A_9, %sub3A : i32
    %roll3A = tpu.dynamic_rotate %dot_general3A_6 by %sub3A_10 dim 1 : vector<1x4096xf32>, i32 -> vector<1x4096xf32>
    %broadcast_in_dim3A = vector.shape_cast %roll3A : vector<1x4096xf32> to vector<1x4096xf32>
    %broadcast_in_dim3A_11 = vector.broadcast %broadcast_in_dim3A : vector<1x4096xf32> to vector<512x4096xf32>
    %roll3A_12 = arith.constant 0 : i32
    %roll3A_13 = tpu.dynamic_rotate %broadcast_in_dim3A_11 by %roll3A_12 dim 1 {stride = 1 : si32, stride_dimension = 0 : si32} : vector<512x4096xf32>, i32 -> vector<512x4096xf32>
    %slice3A = vector.extract_strided_slice %roll3A_13 {offsets = [0, 0], sizes = [512, 2048], strides = [1, 1]} : vector<512x4096xf32> to vector<512x2048xf32>
    %swap3A = arith.constant 0 : index
    %swap3A_14 = arith.constant 0 : index
    %swap3A_15 = vector.load %arg5[%swap3A, %swap3A_14] : memref<512x2048xf32, #tpu.memory_space<vmem>>, vector<512x2048xf32>
    tpu.vector_store %arg5[%swap3A, %swap3A_14], %slice3A {strides = array<i32>} : memref<512x2048xf32, #tpu.memory_space<vmem>>, vector<512x2048xf32>,
    return
  }
  func.func @transform_0(%arg0: i32, %arg1: i32) -> (i32, i32) {
    %c0_i32 = arith.constant 0 : i32
    %c0_i32_0 = arith.constant 0 : i32
    %c0_i32_1 = arith.constant 0 : i32
    return %c0_i32, %c0_i32_0 : i32, i32
  }
  func.func @transform_1(%arg0: i32, %arg1: i32) -> (i32, i32) {
    %c0_i32 = arith.constant 0 : i32
    %c0_i32_0 = arith.constant 0 : i32
    %c0_i32_1 = arith.constant 0 : i32
    return %c0_i32, %c0_i32_0 : i32, i32
  }
  func.func @transform_3(%arg0: i32, %arg1: i32) -> (i32, i32) {
    %add3A = arith.constant 4 : i32
    %add3A_0 = arith.addi %add3A, %arg0 : i32
    %mul3A = arith.constant 4 : i32
    %mul3A_1 = arith.muli %add3A_0, %mul3A : i32
    %add3A_2 = arith.addi %mul3A_1, %arg1 : i32
    %c0_i32 = arith.constant 0 : i32
    %c0_i32_3 = arith.constant 0 : i32
    return %add3A_2, %c0_i32 : i32, i32
  }
}

</mosaic_0001>

<sc_bundles>
// kernel: _rpb.4.cloned.1.call-start
scs
__scs_entry_jumppad:
0x0: {  	(pc) =	sbr.rel $0x88, $3  }
0x1: {  	(tag) =	ssettag $0x0;
	lr =	simm.s32 $0x1  }
0x2: {  	[smem:$0x3FA0] =	sst lr;
	_ =	strace $0xD0000000  }
0x3: {  	_ = 	snop  }
0x4: {  	_ = 	snop  }
0x5: {  	_ = 	snop  }
0x6: {  	_ = 	snop  }
0x7: {  	_ = 	snop  }
__scs_overlays_trampoline_lowered:
0x8: {  	[smem:$0x3FAF] =	sst s0  }
0x9: {  	[smem:$0x3FB0] =	sst s1  }
0xa: {  	[smem:$0x3FB1] =	sst s2  }
0xb: {  	[smem:$0x3FB2] =	sst s3  }
0xc: {  	[smem:$0x3FB3] =	sst s4  }
0xd: {  	[smem:$0x3FB4] =	sst s5  }
0xe: {  	[smem:$0x3FB5] =	sst s6  }
0xf: {  	[smem:$0x3FB6] =	sst s7  }
0x10: {  	[smem:$0x3FB7] =	sst s8  }
0x11: {  	[smem:$0x3FB8] =	sst s9;
	s0 =	simm.s32 @!p0 $0x0  }
0x12: {  	s1 =	sld [smem:$0x3F9E];
	s0 =	simm.s32 @p0 $0x1  }
0x13: {  	[smem:$0x3FB9] =	sst s0;
	s0 =	simm.s32 @!p1 $0x0  }
0x14: {  	s2 =	sld [smem:$0x3F9D];
	s0 =	simm.s32 @p1 $0x1  }
0x15: {  	[smem:$0x3FBA] =	sst s0;
	s0 =	simm.s32 @!p2 $0x0  }
0x16: {  	s3 =	sld [smem:$0x3FDB];
	s0 =	simm.s32 @p2 $0x1  }
0x17: {  	s4 =	simm.s32 $0x1BF5;
	[smem:$0x3FBC] =	sst s0  }
0x18: {  	s0 =	sld [smem:$0x3F9F];
	_ =	swait.ge [sflag:s4], $0x0  }
0x19: {  	s7 =	sld [smem:$0x3FA0]  }
0x1a: {  	s8 =	sadd.s32 $0xFFFFE003, lr  }
0x1b: {  	s9 =	sadd.s32 $0xFFFFFEF7, lr;
	s5 =	simm.s32 $0xFFFFFFFF;
	p2 =	slt.u32 s8, $0xFFFFF086  }
0x1c: {  	p1 =	slt.u32 s9, $0xF7A;
	s5 =	simm.s32 @!p2 $0x0  }
0x1d: {  	s5 =	simm.s32 @p1 $0x1;
	p0 =	seq.s32 s7, s2  }
0x1e: {  	s7 =	smul.u32 @!p0 $0xF7A, s2;
	p2 =	seq.s32 @!p0 s5, $0x0  }
0x1f: {  	s9 =	smul.u32 $0xF7A, s1;
	s8 =	simm.s32 @!p0 $0x1BF5;
	p2 =	por !p2, p0  }
0x20: {  	[sflag:s8] =	ssyncset.s32 @!p0 $0xFFFFF086;
	s6 =	sadd.s32 @!p0 s3, s7;
	s7 =	simm.s32 @!p0 $0x108  }
0x21: {  	s3 =	sadd.s32 s3, s9;
	s6 =	sadd.s32 @!p0 $0x88, s6;
	s7 =	simm.s32 @p2 $0x1082  }
0x22: {  	[simem:s7], [sflag:s8] =	dma.local @!p0 [hbm:s6], $0xF7A  }
0x23: {  	s9 =	sor.u32 $0xD0000000, s2;
	s6 =	simm.s32 $0x108;
	_ =	swait.ge @!p0 [sflag:s8], $0x0  }
0x24: {  	s3 =	sadd.s32 $0x88, s3;
	s6 =	simm.s32 @!p1 $0x1082;
	[sflag:s4] =	ssyncset.s32 $0xFFFFF086  }
0x25: {  	[simem:s6], [sflag:s4] =	dma.local [hbm:s3], $0xF7A  }
0x26: {  	[smem:$0x3FA0] =	sst s1;
	(tag) =	ssettag s2;
	_ =	strace s9  }
0x27: {  	s1 =	sld [smem:$0x3FB0]  }
0x28: {  	s2 =	sld [smem:$0x3FB1]  }
0x29: {  	s4 =	sld [smem:$0x3FB3]  }
0x2a: {  	p0 =	seq.s32 s5, $0x0;
	s5 =	sld [smem:$0x3FB4]  }
0x2b: {  	s6 =	sld [smem:$0x3FB5]  }
0x2c: {  	s7 =	sld [smem:$0x3FB6]  }
0x2d: {  	s3 =	simm.s32 $0x108;
	s8 =	sld [smem:$0x3FB7]  }
0x2e: {  	s3 =	simm.s32 @!p0 $0x1082;
	s9 =	sld [smem:$0x3FB8]  }
0x2f: {  	lr =	sadd.s32 s0, s3;
	s0 =	sld [smem:$0x3FAF]  }
0x30: {  	s3 =	sld [smem:$0x3FB2]  }
0x31: {  	[smem:$0x3FBB] =	sst s10  }
0x32: {  	s10 =	sld [smem:$0x3FB9];
	_ =	sdelay $0x3  }
0x33: {  	p0 =	seq.s32 s10, $0x1;
	s10 =	sld [smem:$0x3FBB];
	_ =	sdelay $0x3  }
0x34: {  	[smem:$0x3FBB] =	sst s10  }
0x35: {  	s10 =	sld [smem:$0x3FBA];
	_ =	sdelay $0x3  }
0x36: {  	p1 =	seq.s32 s10, $0x1;
	s10 =	sld [smem:$0x3FBB];
	_ =	sdelay $0x3  }
0x37: {  	[smem:$0x3FBB] =	sst s10  }
0x38: {  	s10 =	sld [smem:$0x3FBC]  }
0x39: {  	_ = 	snop;
	(pc) =	sbr.ind lr, $3  }
0x3a: {  	_ = 	snop  }
0x3b: {  	_ = 	snop  }
0x3c: {  	p2 =	seq.s32 s10, $0x1;
	s10 =	sld [smem:$0x3FBB]  }
0x3d: {  	_ =	shalt  }
0x3e: {  	_ =	shalt  }
0x3f: {  	_ =	shalt  }
0x40: {  	_ =	shalt  }
0x41: {  	_ =	shalt  }
0x42: {  	_ =	shalt  }
0x43: {  	_ =	shalt  }
0x44: {  	_ =	shalt  }
0x45: {  	_ =	shalt  }
0x46: {  	_ =	shalt  }
0x47: {  	_ =	shalt  }
0x48: {  	_ =	shalt  }
0x49: {  	_ =	shalt  }
0x4a: {  	_ =	shalt  }
0x4b: {  	_ =	shalt  }
0x4c: {  	_ =	shalt  }
0x4d: {  	_ =	shalt  }
0x4e: {  	_ =	shalt  }
0x4f: {  	_ =	shalt  }
0x50: {  	_ =	shalt  }
0x51: {  	_ =	shalt  }
0x52: {  	_ =	shalt  }
0x53: {  	_ =	shalt  }
0x54: {  	_ =	shalt  }
0x55: {  	_ =	shalt  }
0x56: {  	_ =	shalt  }
0x57: {  	_ =	shalt  }
0x58: {  	_ =	shalt  }
0x59: {  	_ =	shalt  }
0x5a: {  	_ =	shalt  }
0x5b: {  	_ =	shalt  }
0x5c: {  	_ =	shalt  }
0x5d: {  	_ =	shalt  }
0x5e: {  	_ =	shalt  }
0x5f: {  	_ =	shalt  }
0x60: {  	_ =	shalt  }
0x61: {  	_ =	shalt  }
0x62: {  	_ =	shalt  }
0x63: {  	_ =	shalt  }
0x64: {  	_ =	shalt  }
0x65: {  	_ =	shalt  }
0x66: {  	_ =	shalt  }
0x67: {  	_ =	shalt  }
0x68: {  	_ =	shalt  }
0x69: {  	_ =	shalt  }
0x6a: {  	_ =	shalt  }
0x6b: {  	_ =	shalt  }
0x6c: {  	_ =	shalt  }
0x6d: {  	_ =	shalt  }
0x6e: {  	_ =	shalt  }
0x6f: {  	_ =	shalt  }
0x70: {  	_ =	shalt  }
0x71: {  	_ =	shalt  }
0x72: {  	_ =	shalt  }
0x73: {  	_ =	shalt  }
0x74: {  	_ =	shalt  }
0x75: {  	_ =	shalt  }
0x76: {  	_ =	shalt  }
0x77: {  	_ =	shalt  }
0x78: {  	_ =	shalt  }
0x79: {  	_ =	shalt  }
0x7a: {  	_ =	shalt  }
0x7b: {  	_ =	shalt  }
0x7c: {  	_ =	shalt  }
0x7d: {  	_ =	shalt  }
0x7e: {  	_ =	shalt  }
0x7f: {  	_ =	shalt  }
0x80: {  	_ =	shalt  }
0x81: {  	_ =	shalt  }
0x82: {  	_ =	shalt  }
0x83: {  	_ =	shalt  }
0x84: {  	_ =	shalt  }
0x85: {  	_ =	shalt  }
0x86: {  	_ =	shalt  }
0x87: {  	_ =	shalt  }
.Lfunc_end0:
.L_simem_size_0:
called_computation_lowered:
.L_overlay_start_0:
0x88: {  	s2 =	sld [smem:$0x3FD9]  }
0x89: {  	s3 =	sld [smem:$0x3FFE];
	_ =	sdelay $0x1  }
0x8a: {  	s1 =	srdreg.scid  }
0x8b: {  	s0 =	sand.u32 $0x1, s1  }
0x8c: {  	s17 =	sshll.u32 s0, $0xA;
	s2 =	sadd.s32 s3, s2  }
0x8d: {  	s2 =	sadd.s32 s2, s17  }
0x8e: {  	[smem:$0x3FC7] =	sst s2  }
0x8f: {  	_ = 	snop  }
0x90: {  	s2 =	sld [smem:$0x3FC9]  }
0x91: {  	s18 =	sld [smem:$0x3FD0];
	(tm) =	ssettm $0x1  }
0x92: {  	s4 =	sld [smem:$0x3FFB];
	_ =	sdelay $0x3  }
0x93: {  	_ =	strace s4  }
0x94: {  	s4 =	sld [smem:$0x3FFC];
	_ =	sdelay $0x3  }
0x95: {  	_ =	strace s4  }
0x96: {  	s4 =	sld [smem:$0x3FFD];
	_ =	sdelay $0x3  }
0x97: {  	_ =	strace s4  }
0x98: {  	_ =	strace $0x8FFFFFFF  }
0x99: {  	s19 =	sld [smem:$0x3FDB];
	_ =	sdelay $0x1  }
0x9a: {  	s5 =	simm.s32 $_scs_section_size  }
0x9b: {  	s6 =	simm.s32 $_size__tile_overlayer_lowered;
	s7 =	simm.s32 $_tile_overlayer_lowered  }
0x9c: {  	s22 =	simm.s32 $0x1BFF;
	s21 =	sshll.u32 s7, $0x1;
	s4 =	sadd.s32 s5, s19  }
0x9d: {  	s8 =	simm.s32 $0x0;
	s20 =	sshll.u32 s6, $0x1;
	s6 =	sadd.s32 s21, s4  }
0x9e: {  	[timem:s8], [sflag:s22] =	dma.local [hbm:s6], s20  }
0x9f: {  	_ =	swait.ge [sflag:s22], s20  }
0xa0: {  	s5 =	ssub.s32 $0x0, s20;
	[sflag:s22] =	ssyncset.done $0x0  }
0xa1: {  	[sflag:s22] =	ssyncadd.s32 s5;
	_ =	sdelay $0x1  }
0xa2: {  	s23 =	simm.s32 $0x1B8B  }
0xa3: {  	_ =	swait.ge [sflag:s23], $0x1  }
0xa4: {  	[sflag:s23] =	ssyncset.done $0x0  }
0xa5: {  	s25 =	simm.s32 $0x1B8E;
	s24 =	sld [smem:$0x3FFE];
	[sflag:s23] =	ssyncadd.s32 $0xFFFFFFFF  }
0xa6: {  	s26 =	simm.s32 $execute0_lowered;
	[smem:$0x3FD2] =	sst s25  }
0xa7: {  	s6 =	sshll.u32 s26, $0x1;
	_ =	strace $0x80000046;
	[dreg:$0x1] =	wrdreg $0xFFFFFFFF  }
0xa8: {  	s28 =	simm.s32 $_size_execute0_lowered;
	s4 =	sadd.s32 s4, s6;
	[dreg:$0x0] =	wrdreg $0x0  }
0xa9: {  	s6 =	sshll.u32 s28, $0x1;
	[dreg:$0x2] =	wrdreg s4  }
0xaa: {  	[dreg:$0x3] =	wrdreg s6  }
0xab: {  	[dreg:$0x4] =	wrdreg $0xC0  }
0xac: {  	_ =	task [dreg:s8], $0x5FFFF  }
0xad: {  	[dreg:$0x1] =	wrdreg $0xFFFFFFFF  }
0xae: {  	[dreg:$0x0] =	wrdreg $0x60  }
0xaf: {  	[dreg:$0x2] =	wrdreg s24  }
0xb0: {  	[dreg:$0x3] =	wrdreg s2  }
0xb1: {  	[dreg:$0x4] =	wrdreg s18  }
0xb2: {  	[dreg:$0x5] =	wrdreg $0xA8800  }
0xb3: {  	[dreg:$0x6] =	wrdreg $0x9  }
0xb4: {  	_ =	task.clear_ibuf [dreg:s8], $0x7FFFF;
	_ =	strace $0x90000046  }
0xb5: {  	s29 =	simm.s32 $0x9;
	_ =	strace $0x80000048  }
0xb6: {  	_ =	swait.ge [sflag:s29], $0x1  }
0xb7: {  	[sflag:s29] =	ssyncadd.s32 $0xFFFFFFFF  }
0xb8: {  	_ =	strace $0x90000048  }
0xb9: {  	_ =	sfence  }
0xba: {  	s30 =	sld [smem:$0x0];
	_ =	sdelay $0x2  }
0xbb: {  	s31 =	sshll.u32 s1, $0xD;
	s1 =	sshrl.u32 s1, $0x2  }
0xbc: {  	s3 =	sand.u32 $0x4000, s31;
	s1 =	sadd.s32 s1, s30  }
0xbd: {  	s0 =	sor.u32 s3, s0;
	s1 =	sshll.u32 s1, $0x11  }
0xbe: {  	s0 =	sor.u32 s1, s0  }
0xbf: {  	s0 =	sadd.s32 $0x8F2B, s0  }
0xc0: {  	[sflag:s0] =	ssyncadd.remote.s32 $0x1  }
0xc1: {  	_ =	sfence.sel $0xFFFF  }
0xc2: {  	[dreg:$0x0] =	wrdreg $0xFFFFFFFF;
	(pc) =	sbr.abs _section_cstart, $3  }
0xc3: {  	[dreg:$0x1] =	wrdreg $0xFFFFFFFF  }
0xc4: {  	_ =	task.clear_ibuf [dreg:s8], $0x2FFFF;
	_ =	strace $0x9FFFFFFF  }
0xc5: {  	(tm) =	ssettm $0x7FFFFFFF  }
tec
execute0_lowered:
.L_overlay_start_1:
0x0: {  	(tag) =	ssettag $0x1  }
0x1: {  	s0 =	rddreg [dreg:$0x0]  }
0x2: {  	s1 =	rddreg [dreg:$0x2]  }
0x3: {  	s3 =	rddreg [dreg:$0x3]  }
0x4: {  	s2 =	simm.s32 $0x0;
	s4 =	srdreg.scid;
	s14 =	stileid.u32  }
0x5: {  	[smem:$0x7FF] =	sst s2;
	s4 =	sand.u32 $0x1, s4;
	s0 =	sadd.s32 $0x800, s0  }
0x6: {  	s6 =	sshll.u32 s14, $0x3;
	s16 =	sshll.u32 s14, $0xF;
	s8 =	sshll.u32 s14, $0x12  }
0x7: {  	s10 =	sshll.u32 s14, $0xA;
	s18 =	sshll.u32 s14, $0x5;
	_ =	strace $0x80000047  }
0x8: {  	s5 =	ssub.s32 $0x2, s4;
	[dreg:$0x5] =	wrdreg s0;
	s7 =	sshll.u32 s4, $0x8  }
0x9: {  	s6 =	sxor.u32 $0x7F, s6;
	s9 =	sshll.u32 s4, $0x17;
	s4 =	sshllo.u32 s4, $0x1  }
0xa: {  	s20 =	ssub.s32 $0x4B8, s18;
	s23 =	ssub.s32 $0x4B4, s18;
	s24 =	ssub.s32 $0x4B0, s18  }
0xb: {  	s25 =	ssub.s32 $0x4AC, s18;
	s26 =	ssub.s32 $0x4A8, s18;
	s28 =	ssub.s32 $0x4A4, s18  }
0xc: {  	s29 =	ssub.s32 $0x4A0, s18;
	s18 =	simm.s32 $0x2;
	s15 =	sshrl.u32 s5, $0x1  }
0xd: {  	s9 =	sor.u32 s8, s9;
	s17 =	sshll.u32 s4, $0x16;
	s4 =	sshll.u32 s4, $0x7  }
0xe: {  	s22 =	sshrl.u32 s20, $0x2;
	s20 =	simm.s32 $0x2880;
	s0 =	ssub.s32 s5, s15  }
0xf: {  	s5 =	sadd.s32 s16, s3;
	s3 =	ssub.s32 s3, s10;
	s9 =	sshrl.u32 s9, $0x3  }
0x10: {  	s8 =	sor.u32 s8, s17;
	s10 =	sadd.s32 $0x18B0, s6;
	s11 =	sor.u32 $0x1800, s22  }
0x11: {  	s6 =	sshrl.u32 s25, $0x2;
	s21 =	sadd.s32 $0x4000, s3;
	s9 =	sadd.s32 s1, s9  }
0x12: {  	[dreg:$0x6] =	wrdreg s5;
	s19 =	sadd.s32 $0x80000, s5;
	s8 =	sshrl.u32 s8, $0x3  }
0x13: {  	s3 =	sadd.s32 $0x84000, s3;
	s0 =	smax.u32 s0, $0x1;
	[dreg:$0x7] =	wrdreg s9  }
0x14: {  	s14 =	sor.u32 $0x1800, s6;
	s6 =	sshrl.u32 s29, $0x2;
	[dreg:$0x8] =	wrdreg s19  }
0x15: {  	s1 =	sadd.s32 s1, s8;
	[dreg:$0xa] =	wrdreg s0;
	s0 =	sshrl.u32 s23, $0x2  }
0x16: {  	s17 =	sor.u32 $0x1800, s6;
	s19 =	simm.s32 $0x1000;
	s30 =	sshrl.u32 s21, $0x3  }
0x17: {  	s31 =	sshrl.u32 s3, $0x3;
	[dreg:$0x9] =	wrdreg s1;
	s1 =	sshrl.u32 s24, $0x2  }
0x18: {  	s12 =	sor.u32 $0x1800, s0;
	s0 =	sshrl.u32 s26, $0x2;
	[dreg:$0xb] =	wrdreg s30  }
0x19: {  	[dreg:$0xc] =	wrdreg s31;
	s13 =	sor.u32 $0x1800, s1;
	s1 =	sshrl.u32 s28, $0x2  }
0x1a: {  	v0 =	vmov s7;
	v1 =	vmov s4;
	s26 =	simm.s32 $0x0;
	s15 =	sor.u32 $0x1800, s0;
	s16 =	sor.u32 $0x1800, s1  }
.LBB2_1:
0x1b: {  	s2 =	simm.s32 $0x0;
	s0 =	rddreg [dreg:$0x5]  }
0x1c: {  	[tilespmem:s2], [sflag:$0x2] =	stream.linear.gather [hbm4b:s0+s2], $0x1000, $0x38;
	[tilespmem:$0x1A880] =	vst v63  }
0x1d: {  	_ =	swait.ge [sflag:s18], $0x1000  }
0x1e: {  	[sflag:s18] =	ssyncset.done $0x0  }
0x1f: {  	[sflag:s18] =	ssyncadd.s32 $0xFFFFF000  }
0x20: {  	s28 =	rddreg [dreg:$0x1]  }
0x21: {  	[tilespmem:s19], [sflag:$0x2] =	stream.linear.gather [hbm4b:s28+s2], $0x800, $0x38;
	[tilespmem:$0x1A880] =	vst v63  }
0x22: {  	_ =	swait.ge [sflag:s18], $0x800  }
0x23: {  	[sflag:s18] =	ssyncset.done $0x0  }
0x24: {  	s29 =	simm.s32 $0x20;
	[sflag:s18] =	ssyncadd.s32 $0xFFFFF800  }
0x25: {  	v2 =	vld [tilespmem:s29+$0x10]  }
0x26: {  	v3 =	vld [tilespmem:s29+$0xFFFFFFE0];
	_ =	sdelay $0x3  }
0x27: {  	s1 =	simm.s32 $0x60;
	v4 =	vld [tilespmem:s29+$0xFFFFFFF0];
	v5 =	vand.u32 $0xFFFFFF80, v2  }
0x28: {  	v6 =	vld [tilespmem:s1+$0x10];
	v2 =	vand.u32 $0x7F, v2;
	v7 =	vand.u32 $0xFFFFFF80, v3;
	v5 =	vadd.s32 v0, v5  }
0x29: {  	v8 =	vld [tilespmem:s29+$0x0];
	v3 =	vand.u32 $0x7F, v3;
	v2 =	vor.u32 v2, v5;
	v5 =	vadd.s32 v0, v7  }
0x2a: {  	v3 =	vor.u32 v3, v5  }
0x2b: {  	v5 =	vld [tilespmem:s1+$0xFFFFFFE0]  }
0x2c: {  	v10 =	vld [tilespmem:s1+$0xFFFFFFF0];
	v7 =	vand.u32 $0xFFFFFF80, v4  }
0x2d: {  	v11 =	vld [tilespmem:s1+$0x0];
	v4 =	vand.u32 $0x7F, v4;
	v7 =	vadd.s32 v0, v7  }
0x2e: {  	v9 =	vand.u32 $0xFFFFFF80, v6;
	v12 =	vand.u32 $0xFFFFFF80, v8;
	v7 =	vor.u32 v4, v7;
	v13 =	vld.idx.msk [tilespmem:v2+s19+$0x0], $0xffff  }
0x2f: {  	s30 =	simm.s32 $0xA0;
	v2 =	vand.u32 $0x7F, v6;
	v6 =	vadd.s32 v0, v9;
	v9 =	vadd.s32 v0, v12;
	v12 =	vld.idx.msk [tilespmem:v3+s19+$0x0], $0xffff  }
0x30: {  	v6 =	vor.u32 v2, v6;
	v2 =	vand.u32 $0x7F, v8;
	v8 =	vld [tilespmem:s30+$0x10];
	v3 =	vand.u32 $0xFFFFFF80, v5  }
0x31: {  	v5 =	vand.u32 $0x7F, v5;
	v14 =	vor.u32 v2, v9;
	v2 =	vld [tilespmem:s30+$0xFFFFFFF0];
	v3 =	vadd.s32 v0, v3  }
0x32: {  	v4 =	vld [tilespmem:s30+$0x0];
	v9 =	vand.u32 $0xFFFFFF80, v10;
	v15 =	vor.u32 v5, v3  }
0x33: {  	v3 =	vadd.s32 v0, v9;
	v5 =	vand.u32 $0xFFFFFF80, v11;
	v9 =	vld [tilespmem:s30+$0xFFFFFFE0]  }
0x34: {  	v7 =	vld.idx.msk [tilespmem:v7+s19+$0x0], $0xffff;
	v16 =	vadd.s32 v0, v5;
	v5 =	vand.u32 $0x7F, v10;
	v10 =	vand.u32 $0x7F, v11  }
0x35: {  	s0 =	simm.s32 $0x18B0;
	v5 =	vor.u32 v5, v3;
	v3 =	vor.u32 v10, v16;
	v6 =	vld.idx.msk [tilespmem:v6+s19+$0x0], $0xffff;
	v10 =	vand.u32 $0xFFFFFF80, v8  }
0x36: {  	s4 =	simm.s32 $0x8;
	s31 =	sand.u32 $0xFC0, s2;
	[tilespmem:s0+$0x0] =	vst v13;
	v63 =	vand.u32 $0x7F, v8;
	v11 =	vand.u32 $0xFFFFFF80, v2;
	v10 =	vadd.s32 v0, v10;
	v8 =	vld.idx.msk [tilespmem:v14+s19+$0x0], $0xffff  }
0x37: {  	s6 =	simm.s32 $0xE0;
	s3 =	simm.s32 $0x0;
	s1 =	simm.s32 $0x18B0;
	v13 =	vand.u32 $0xFFFFFF80, v4;
	[tilespmem:s31+$0x1880] =	vst v12;
	v12 =	vadd.s32 v0, v11;
	v11 =	vor.u32 v63, v10;
	v10 =	vld.idx.msk [tilespmem:v15+s19+$0x0], $0xffff  }
.LBB2_2:
0x38: {  	v14 =	vld [tilespmem:s6+$0x10];
	s4 =	sadd.s32 $0x4, s4;
	v15 =	vand.u32 $0xFFFFFF80, v9;
	v9 =	vand.u32 $0x7F, v9;
	v13 =	vadd.s32 v0, v13  }
0x39: {  	v16 =	vand.u32 $0x7F, v2;
	v17 =	vand.u32 $0x7F, v4;
	s0 =	sadd.s32 $0x40, s0;
	p0 =	slt.u32 s4, $0xFC;
	v15 =	vadd.s32 v0, v15;
	v2 =	vld [tilespmem:s6+$0xFFFFFFF0]  }
0x3a: {  	v12 =	vor.u32 v16, v12;
	v13 =	vor.u32 v17, v13;
	v4 =	vld [tilespmem:s6+$0x0];
	v15 =	vor.u32 v9, v15;
	[tilespmem:s0+$0x0] =	vst v6  }
.Ltmp0:
0x3b: {  	s3 =	sadd.s32 $0x40, s3;
	v9 =	vld [tilespmem:s6+$0xFFFFFFE0];
	[tilespmem:s1+$0xFFFFFFE0] =	vst v7;
	(pc) =	sbr.rel @p0 .LBB2_2-.Ltmp0, $4  }
0x3c: {  	s7 =	sand.u32 $0xFC0, s3;
	v6 =	vld.idx.msk [tilespmem:v11+s19+$0x0], $0xffff;
	[tilespmem:s1+$0xFFFFFFF0] =	vst v8;
	s1 =	smov.u32 s0  }
0x3d: {  	v8 =	vand.u32 $0xFFFFFF80, v14;
	[tilespmem:s7+$0x1880] =	vst v10;
	v7 =	vld.idx.msk [tilespmem:v5+s19+$0x0], $0xffff;
	v5 =	vmov v12  }
0x3e: {  	v11 =	vand.u32 $0x7F, v14;
	v10 =	vand.u32 $0xFFFFFF80, v2;
	v14 =	vadd.s32 v0, v8;
	v8 =	vld.idx.msk [tilespmem:v3+s19+$0x0], $0xffff;
	v3 =	vmovc v13  }
0x3f: {  	s6 =	sadd.s32 $0x40, s6;
	v12 =	vadd.s32 v0, v10;
	v13 =	vand.u32 $0xFFFFFF80, v4;
	v11 =	vor.u32 v11, v14;
	v10 =	vld.idx.msk [tilespmem:v15+s19+$0x0], $0xffff  }
0x40: {  	_ = 	snop  }
0x41: {  	v14 =	vand.u32 $0xFFFFFF80, v9;
	v2 =	vand.u32 $0x7F, v2  }
0x42: {  	v13 =	vadd.s32 v0, v13;
	v4 =	vand.u32 $0x7F, v4;
	v2 =	vor.u32 v2, v12  }
0x43: {  	v62 =	vand.u32 $0x7F, v9;
	v14 =	vadd.s32 v0, v14;
	v4 =	vor.u32 v4, v13  }
0x44: {  	s0 =	sadd.s32 $0x40, s0;
	v11 =	vld.idx.msk [tilespmem:v11+s19+$0x0], $0xffff;
	v9 =	vor.u32 v62, v14  }
0x45: {  	v5 =	vld.idx.msk [tilespmem:v5+s19+$0x0], $0xffff;
	[tilespmem:s0+$0x0] =	vst v6  }
0x46: {  	s3 =	sadd.s32 $0x40, s3;
	v3 =	vld.idx.msk [tilespmem:v3+s19+$0x0], $0xffff;
	[tilespmem:s1+$0xFFFFFFE0] =	vst v7  }
0x47: {  	s4 =	sand.u32 $0xFC0, s3;
	[tilespmem:s1+$0xFFFFFFF0] =	vst v8;
	v2 =	vld.idx.msk [tilespmem:v2+s19+$0x0], $0xffff  }
0x48: {  	s25 =	sadd.s32 $0x40, s0;
	[tilespmem:s4+$0x1880] =	vst v10;
	v4 =	vld.idx.msk [tilespmem:v4+s19+$0x0], $0xffff  }
0x49: {  	[tilespmem:s25+$0x0] =	vst v11;
	v63 =	vld.idx.msk [tilespmem:v9+s19+$0x0], $0xffff  }
0x4a: {  	[tilespmem:s0+$0xFFFFFFE0] =	vst v5  }
0x4b: {  	[tilespmem:s0+$0xFFFFFFF0] =	vst v3  }
0x4c: {  	s3 =	sadd.s32 $0x40, s3;
	[tilespmem:s25+$0xFFFFFFE0] =	vst v2  }
0x4d: {  	s3 =	sand.u32 $0xFC0, s3;
	[tilespmem:s25+$0xFFFFFFF0] =	vst v4  }
0x4e: {  	[tilespmem:s3+$0x1880] =	vst v63  }
0x4f: {  	v3 =	vld [tilespmem:s10+$0x0]  }
0x50: {  	s28 =	simm.s32 $0x400;
	s29 =	simm.s32 $0x80;
	p0 =	por $0x1, $0x1  }
0x51: {  	s31 =	simm.s32 $0x90;
	s6 =	simm.s32 $0xB0;
	s30 =	sand.u32 $0x7C00, s28  }
0x52: {  	s7 =	simm.s32 $0xA0;
	s6 =	sand.u32 $0x70, s6;
	s1 =	sadd.s32 $0x2880, s30;
	v4 =	vld [tilespmem:s10+$0xFFFFFFE0]  }
.Ltmp1:
0x53: {  	s21 =	simm.s32 $0x80;
	s6 =	sor.u32 s6, s1;
	v2 =	vld [tilespmem:s10+$0xFFFFFFF0];
	(pc) =	sbr.rel @!p0 .LBB2_5-.Ltmp1, $4  }
0x54: {  	s8 =	sand.u32 $0x60, s7;
	s9 =	sand.u32 $0x40, s29;
	s3 =	sand.u32 $0x50, s31;
	[tilespmem:s6+$0x0] =	vst v3;
	v3 =	vld [tilespmem:s10+$0xFFFFFFD0]  }
0x55: {  	s4 =	simm.s32 $0x8;
	s0 =	simm.s32 $0x4;
	s7 =	sor.u32 s3, s1  }
0x56: {  	s3 =	sor.u32 s8, s1;
	s1 =	sor.u32 s9, s1;
	s8 =	sadd.s32 $0x40, s10  }
0x57: {  	s9 =	simm.s32 $0x400;
	s23 =	smov.u32 s3;
	s22 =	smov.u32 s1;
	[tilespmem:s7+$0x0] =	vst v4  }
.LBB2_4:
0x58: {  	v4 =	vld [tilespmem:s8+$0x0];
	s4 =	sadd.s32 $0x4, s4;
	[tilespmem:s23+$0x0] =	vst v2;
	s9 =	sadd.s32 $0x200, s9  }
0x59: {  	s21 =	sadd.s32 $0x40, s21;
	v5 =	vld [tilespmem:s8+$0xFFFFFFE0];
	p0 =	slt.u32 s4, $0xFC;
	[tilespmem:s22+$0x0] =	vst v3;
	s22 =	sand.u32 $0x7C00, s9  }
.Ltmp2:
0x5a: {  	s23 =	sadd.s32 $0x10, s21;
	s24 =	sadd.s32 $0x30, s21;
	v2 =	vld [tilespmem:s8+$0xFFFFFFF0];
	(pc) =	sbr.rel @p0 .LBB2_4-.Ltmp2, $4  }
0x5b: {  	s30 =	sadd.s32 $0x20, s21;
	s22 =	sadd.s32 $0x2880, s22;
	s24 =	sand.u32 $0x70, s24;
	v3 =	vld [tilespmem:s8+$0xFFFFFFD0]  }
0x5c: {  	s23 =	sand.u32 $0x50, s23;
	s30 =	sand.u32 $0x60, s30;
	s24 =	sor.u32 s24, s22  }
0x5d: {  	s31 =	sand.u32 $0x40, s21;
	s5 =	sor.u32 s23, s22;
	s23 =	sor.u32 s30, s22;
	[tilespmem:s24+$0x0] =	vst v4  }
0x5e: {  	s22 =	sor.u32 s31, s22;
	s8 =	sadd.s32 $0x40, s8;
	[tilespmem:s5+$0x0] =	vst v5  }
.LBB2_5:
0x5f: {  	[tilespmem:s23+$0x0] =	vst v2  }
0x60: {  	[tilespmem:s22+$0x0] =	vst v3  }
0x61: {  	v3 =	vld [tilespmem:s11+$0x0];
	_ =	sdelay $0x2  }
0x62: {  	p0 =	por $0x1, $0x1;
	v4 =	vld [tilespmem:s11+$0xFFFFFFE0]  }
.Ltmp3:
0x63: {  	v2 =	vld [tilespmem:s11+$0xFFFFFFF0];
	(pc) =	sbr.rel @!p0 .LBB2_7-.Ltmp3, $3  }
0x64: {  	[tilespmem:s6+$0x80] =	vst v3;
	v3 =	vld [tilespmem:s11+$0xFFFFFFD0];
	_ =	sdelay $0x1  }
0x65: {  	s4 =	simm.s32 $0x8  }
0x66: {  	s8 =	simm.s32 $0x80;
	[tilespmem:s7+$0x80] =	vst v4;
	s6 =	smov.u32 s11;
	s7 =	simm.s32 $0x400  }
.LBB2_6:
0x67: {  	[tilespmem:s3+$0x80] =	vst v2;
	s6 =	sadd.s32 $0x40, s6  }
0x68: {  	s4 =	sadd.s32 $0x4, s4;
	s7 =	sadd.s32 $0x200, s7;
	v4 =	vld [tilespmem:s6+$0x0];
	[tilespmem:s1+$0x80] =	vst v3  }
0x69: {  	s8 =	sadd.s32 $0x40, s8;
	p0 =	slt.u32 s4, $0xFC;
	s1 =	sand.u32 $0x7C00, s7;
	v5 =	vld [tilespmem:s6+$0xFFFFFFE0]  }
.Ltmp4:
0x6a: {  	s3 =	sadd.s32 $0x10, s8;
	s5 =	sadd.s32 $0x30, s8;
	v2 =	vld [tilespmem:s6+$0xFFFFFFF0];
	(pc) =	sbr.rel @p0 .LBB2_6-.Ltmp4, $4  }
0x6b: {  	s9 =	sadd.s32 $0x20, s8;
	s1 =	sadd.s32 $0x2880, s1;
	s5 =	sand.u32 $0x70, s5;
	v3 =	vld [tilespmem:s6+$0xFFFFFFD0]  }
0x6c: {  	s3 =	sand.u32 $0x50, s3;
	s9 =	sand.u32 $0x60, s9;
	s5 =	sor.u32 s5, s1  }
0x6d: {  	s21 =	sand.u32 $0x40, s8;
	s22 =	sor.u32 s3, s1;
	s3 =	sor.u32 s9, s1;
	[tilespmem:s5+$0x80] =	vst v4  }
0x6e: {  	s1 =	sor.u32 s21, s1;
	[tilespmem:s22+$0x80] =	vst v5  }
.LBB2_7:
0x6f: {  	[tilespmem:s3+$0x80] =	vst v2  }
0x70: {  	[tilespmem:s1+$0x80] =	vst v3  }
0x71: {  	v3 =	vld [tilespmem:s12+$0x0];
	_ =	sdelay $0x1  }
0x72: {  	s3 =	sadd.s32 $0x4, s0;
	s31 =	sand.u32 $0x7C00, s28;
	s5 =	sadd.s32 $0x30, s29  }
0x73: {  	p0 =	slt.u32 s3, $0xFC;
	s1 =	sadd.s32 $0x2880, s31;
	s5 =	sand.u32 $0x70, s5;
	v4 =	vld [tilespmem:s12+$0xFFFFFFE0]  }
.Ltmp5:
0x74: {  	s8 =	sor.u32 s5, s1;
	v2 =	vld [tilespmem:s12+$0xFFFFFFF0];
	(pc) =	sbr.rel @!p0 .LBB2_9-.Ltmp5, $4  }
0x75: {  	s4 =	sadd.s32 $0x10, s29;
	s6 =	sadd.s32 $0x20, s29;
	s9 =	sadd.s32 $0x40, s12;
	[tilespmem:s8+$0x100] =	vst v3;
	v3 =	vld [tilespmem:s12+$0xFFFFFFD0]  }
0x76: {  	s21 =	smov.u32 s28;
	s7 =	sand.u32 $0x50, s4;
	s6 =	sand.u32 $0x60, s6  }
0x77: {  	s4 =	sand.u32 $0x40, s29;
	s7 =	sor.u32 s7, s1;
	s6 =	sor.u32 s6, s1  }
0x78: {  	s22 =	smov.u32 s29;
	s23 =	sor.u32 s4, s1;
	s24 =	smov.u32 s6;
	[tilespmem:s7+$0x100] =	vst v4  }
.LBB2_8:
0x79: {  	v4 =	vld [tilespmem:s9+$0x0];
	s3 =	sadd.s32 $0x4, s3;
	[tilespmem:s24+$0x100] =	vst v2;
	s21 =	sadd.s32 $0x200, s21  }
0x7a: {  	s22 =	sadd.s32 $0x40, s22;
	v5 =	vld [tilespmem:s9+$0xFFFFFFE0];
	p0 =	slt.u32 s3, $0xFC;
	[tilespmem:s23+$0x100] =	vst v3;
	s5 =	sand.u32 $0x7C00, s21  }
.Ltmp6:
0x7b: {  	s23 =	sadd.s32 $0x10, s22;
	s24 =	sadd.s32 $0x30, s22;
	v2 =	vld [tilespmem:s9+$0xFFFFFFF0];
	(pc) =	sbr.rel @p0 .LBB2_8-.Ltmp6, $4  }
0x7c: {  	s30 =	sadd.s32 $0x20, s22;
	s5 =	sadd.s32 $0x2880, s5;
	s24 =	sand.u32 $0x70, s24;
	v3 =	vld [tilespmem:s9+$0xFFFFFFD0]  }
0x7d: {  	s23 =	sand.u32 $0x50, s23;
	s30 =	sand.u32 $0x60, s30;
	s31 =	sor.u32 s24, s5  }
0x7e: {  	s25 =	sand.u32 $0x40, s22;
	s2 =	sor.u32 s23, s5;
	s24 =	sor.u32 s30, s5;
	[tilespmem:s31+$0x100] =	vst v4  }
0x7f: {  	s23 =	sor.u32 s25, s5;
	s9 =	sadd.s32 $0x40, s9;
	[tilespmem:s2+$0x100] =	vst v5  }
.LBB2_9:
0x80: {  	[tilespmem:s24+$0x100] =	vst v2  }
0x81: {  	s9 =	sadd.s32 $0x4, s0;
	[tilespmem:s23+$0x100] =	vst v3  }
0x82: {  	p0 =	slt.u32 s9, $0xFC;
	v5 =	vld [tilespmem:s13+$0x0]  }
.Ltmp7:
0x83: {  	v2 =	vld [tilespmem:s13+$0xFFFFFFE0];
	(pc) =	sbr.rel @!p0 .LBB2_11-.Ltmp7, $4  }
0x84: {  	v3 =	vld [tilespmem:s13+$0xFFFFFFF0]  }
0x85: {  	v4 =	vld [tilespmem:s13+$0xFFFFFFD0]  }
0x86: {  	p1 =	por $0x0, $0x0;
	s30 =	simm.s32 $0x420;
	s31 =	simm.s32 $0x400  }
0x87: {  	s3 =	simm.s32 $0x4;
	s0 =	simm.s32 $0x0;
	[tilespmem:s8+$0x180] =	vst v5;
	s8 =	smov.u32 s13  }
.LBB2_10:
0x88: {  	s1 =	sor.u32 s4, s1;
	[tilespmem:s7+$0x180] =	vst v2  }
0x89: {  	s8 =	sadd.s32 $0x40, s8;
	s9 =	sadd.s32 $0x4, s9;
	[tilespmem:s6+$0x180] =	vst v3  }
0x8a: {  	p0 =	slt.u32 s9, $0xFC;
	v5 =	vld [tilespmem:s8+$0x0];
	[tilespmem:s1+$0x180] =	vst v4  }
.Ltmp8:
0x8b: {  	s28 =	sadd.s32 $0x200, s28;
	s29 =	sadd.s32 $0x40, s29;
	v2 =	vld [tilespmem:s8+$0xFFFFFFE0];
	(pc) =	sbr.rel @p0 .LBB2_10-.Ltmp8, $4  }
0x8c: {  	s2 =	sadd.s32 $0x10, s29;
	s4 =	sadd.s32 $0x30, s29;
	s1 =	sand.u32 $0x7C00, s28;
	v3 =	vld [tilespmem:s8+$0xFFFFFFF0]  }
0x8d: {  	s5 =	sadd.s32 $0x20, s29;
	s4 =	sand.u32 $0x70, s4;
	s1 =	sadd.s32 $0x2880, s1;
	v4 =	vld [tilespmem:s8+$0xFFFFFFD0]  }
0x8e: {  	s2 =	sand.u32 $0x50, s2;
	s5 =	sand.u32 $0x60, s5;
	s21 =	sor.u32 s4, s1  }
0x8f: {  	s4 =	sand.u32 $0x40, s29;
	s7 =	sor.u32 s2, s1;
	s6 =	sor.u32 s5, s1;
	[tilespmem:s21+$0x180] =	vst v5  }
.LBB2_11:
0x90: {  	[tilespmem:s7+$0x180] =	vst v2  }
0x91: {  	s1 =	sor.u32 s4, s1;
	[tilespmem:s6+$0x180] =	vst v3  }
0x92: {  	s21 =	sand.u32 $0x7, s0;
	[tilespmem:s1+$0x180] =	vst v4  }
0x93: {  	s2 =	simm.s32 $0x1;
	s1 =	sshll.u32 s21, $0x4;
	v2 =	vld [tilespmem:s14+$0x0]  }
0x94: {  	s2 =	simm.s32 @!p1 $0x0;
	v3 =	vld [tilespmem:s14+$0xFFFFFFD0];
	s1 =	sadd.s32 s1, s0  }
0x95: {  	v4 =	vld [tilespmem:s14+$0xFFFFFFE0];
	s7 =	sadd.s32 $0x430, s1;
	s8 =	sadd.s32 $0x410, s1;
	s1 =	sadd.s32 $0x4, s3  }
0x96: {  	s22 =	sand.u32 $0x3, s0;
	s2 =	sshll.u32 s2, $0x6;
	v5 =	vld [tilespmem:s14+$0xFFFFFFF0];
	p2 =	slt.u32 s1, $0xFC  }
.Ltmp9:
0x97: {  	s6 =	sadd.s32 s2, s31;
	s23 =	sor.u32 $0x200, s7;
	(pc) =	sbr.rel @!p2 .LBB2_13-.Ltmp9, $4  }
0x98: {  	s28 =	sadd.s32 $0x4, s0;
	s4 =	sshll.u32 s22, $0x5;
	s5 =	sor.u32 $0x200, s6;
	[tilespmem:s23+$0x2880] =	vst v2  }
0x99: {  	s29 =	sadd.s32 $0x200, s31;
	s9 =	sadd.s32 s4, s30;
	s24 =	sor.u32 $0x200, s8;
	[tilespmem:s5+$0x2880] =	vst v3  }
0x9a: {  	p0 =	por p1, p1;
	s21 =	sadd.s32 $0x40, s14;
	s25 =	sor.u32 $0x200, s9;
	[tilespmem:s24+$0x2880] =	vst v4  }
0x9b: {  	s9 =	sadd.s32 $0x2, s0;
	[tilespmem:s25+$0x2880] =	vst v5;
	s23 =	smov.u32 s0;
	s24 =	smov.u32 s30  }
.LBB2_12:
0x9c: {  	s2 =	sand.u32 $0x7, s28;
	s1 =	sadd.s32 $0x4, s1  }
0x9d: {  	v2 =	vld [tilespmem:s21+$0x0];
	p0 =	por !p0, !p0;
	s23 =	sadd.s32 $0x200, s23;
	s22 =	simm.s32 $0x1  }
0x9e: {  	s2 =	sshll.u32 s2, $0x4;
	v3 =	vld [tilespmem:s21+$0xFFFFFFD0];
	p2 =	slt.u32 s1, $0xFC;
	s22 =	simm.s32 @!p0 $0x0  }
0x9f: {  	s5 =	sand.u32 $0x3, s9;
	s2 =	sadd.s32 s2, s23;
	v4 =	vld [tilespmem:s21+$0xFFFFFFE0];
	s22 =	sshll.u32 s22, $0x6  }
0xa0: {  	s25 =	sadd.s32 $0x410, s2;
	v5 =	vld [tilespmem:s21+$0xFFFFFFF0];
	s2 =	sadd.s32 $0x430, s2;
	s22 =	sadd.s32 s22, s29  }
.Ltmp10:
0xa1: {  	s25 =	sor.u32 $0x200, s25;
	s2 =	sor.u32 $0x200, s2;
	(pc) =	sbr.rel @p2 .LBB2_12-.Ltmp10, $4  }
0xa2: {  	s24 =	sadd.s32 $0x200, s24;
	s5 =	sshll.u32 s5, $0x5;
	s22 =	sor.u32 $0x200, s22;
	[tilespmem:s2+$0x2880] =	vst v2  }
0xa3: {  	s2 =	sadd.s32 s5, s24;
	[tilespmem:s22+$0x2880] =	vst v3  }
0xa4: {  	s9 =	sadd.s32 $0x2, s9;
	s2 =	sor.u32 $0x200, s2;
	[tilespmem:s25+$0x2880] =	vst v4  }
0xa5: {  	s28 =	sadd.s32 $0x4, s28;
	s29 =	sadd.s32 $0x200, s29;
	s21 =	sadd.s32 $0x40, s21;
	[tilespmem:s2+$0x2880] =	vst v5  }
.LBB2_13:
0xa6: {  	s9 =	sadd.s32 $0x4, s3  }
0xa7: {  	v5 =	vld [tilespmem:s15+$0x0];
	p2 =	slt.u32 s9, $0xFC  }
.Ltmp11:
0xa8: {  	v2 =	vld [tilespmem:s15+$0xFFFFFFD0];
	(pc) =	sbr.rel @!p2 .LBB2_15-.Ltmp11, $4  }
0xa9: {  	p0 =	por $0x0, $0x0;
	s28 =	simm.s32 $0x420;
	v3 =	vld [tilespmem:s15+$0xFFFFFFE0]  }
0xaa: {  	s1 =	simm.s32 $0x400;
	s3 =	simm.s32 $0x4;
	s2 =	sor.u32 $0x280, s7;
	v4 =	vld [tilespmem:s15+$0xFFFFFFF0]  }
0xab: {  	s29 =	simm.s32 $0x0;
	s21 =	sor.u32 $0x280, s8;
	s22 =	sor.u32 $0x280, s6  }
0xac: {  	s6 =	smov.u32 s0;
	s7 =	smov.u32 s15;
	s8 =	smov.u32 s0;
	[tilespmem:s2+$0x2880] =	vst v5  }
.LBB2_14:
0xad: {  	s2 =	sadd.s32 s4, s30;
	[tilespmem:s22+$0x2880] =	vst v2  }
0xae: {  	[tilespmem:s21+$0x2880] =	vst v3;
	s2 =	sor.u32 $0x280, s2  }
0xaf: {  	s0 =	sadd.s32 $0x2, s0;
	s6 =	sadd.s32 $0x4, s6;
	s31 =	sadd.s32 $0x200, s31;
	[tilespmem:s2+$0x2880] =	vst v4  }
0xb0: {  	s7 =	sadd.s32 $0x40, s7;
	s9 =	sadd.s32 $0x4, s9;
	p1 =	por !p1, !p1  }
0xb1: {  	s8 =	sadd.s32 $0x200, s8;
	p2 =	slt.u32 s9, $0xFC;
	s2 =	sand.u32 $0x7, s6;
	v5 =	vld [tilespmem:s7+$0x0]  }
.Ltmp12:
0xb2: {  	s5 =	simm.s32 $0x1;
	s2 =	sshll.u32 s2, $0x4;
	v2 =	vld [tilespmem:s7+$0xFFFFFFD0];
	(pc) =	sbr.rel @p2 .LBB2_14-.Ltmp12, $4  }
0xb3: {  	s4 =	sand.u32 $0x3, s0;
	s5 =	simm.s32 @!p1 $0x0;
	s2 =	sadd.s32 s2, s8;
	v3 =	vld [tilespmem:s7+$0xFFFFFFE0]  }
0xb4: {  	s5 =	sshll.u32 s5, $0x6;
	s21 =	sadd.s32 $0x410, s2;
	s2 =	sadd.s32 $0x430, s2;
	v4 =	vld [tilespmem:s7+$0xFFFFFFF0]  }
0xb5: {  	s5 =	sadd.s32 s5, s31;
	s21 =	sor.u32 $0x280, s21;
	s2 =	sor.u32 $0x280, s2  }
0xb6: {  	s30 =	sadd.s32 $0x200, s30;
	s4 =	sshll.u32 s4, $0x5;
	s22 =	sor.u32 $0x280, s5;
	[tilespmem:s2+$0x2880] =	vst v5  }
.LBB2_15:
0xb7: {  	s0 =	sadd.s32 s4, s30;
	[tilespmem:s22+$0x2880] =	vst v2  }
0xb8: {  	[tilespmem:s21+$0x2880] =	vst v3;
	s0 =	sor.u32 $0x280, s0  }
0xb9: {  	[tilespmem:s0+$0x2880] =	vst v4  }
0xba: {  	s22 =	sand.u32 $0x7, s29;
	s2 =	simm.s32 $0x1;
	v2 =	vld [tilespmem:s16+$0x0]  }
0xbb: {  	s5 =	sand.u32 $0x3, s29;
	s8 =	sadd.s32 $0x4, s3;
	s0 =	sshll.u32 s22, $0x4;
	v3 =	vld [tilespmem:s16+$0xFFFFFFD0]  }
0xbc: {  	s30 =	sadd.s32 $0x4, s29;
	s2 =	simm.s32 @!p0 $0x0;
	s0 =	sadd.s32 s0, s29;
	v4 =	vld [tilespmem:s16+$0xFFFFFFE0]  }
0xbd: {  	p2 =	slt.u32 s8, $0xFC;
	s2 =	sshll.u32 s2, $0x6;
	v5 =	vld [tilespmem:s16+$0xFFFFFFF0];
	s4 =	sadd.s32 $0x430, s0  }
.Ltmp13:
0xbe: {  	s6 =	sadd.s32 s2, s1;
	s23 =	sor.u32 $0x300, s4;
	(pc) =	sbr.rel @!p2 .LBB2_17-.Ltmp13, $4  }
0xbf: {  	s5 =	sshll.u32 s5, $0x5;
	s0 =	sadd.s32 $0x410, s0;
	s9 =	sor.u32 $0x300, s6;
	[tilespmem:s23+$0x2880] =	vst v2  }
0xc0: {  	s31 =	sadd.s32 $0x200, s1;
	s7 =	sadd.s32 s5, s28;
	s24 =	sor.u32 $0x300, s0;
	[tilespmem:s9+$0x2880] =	vst v3  }
0xc1: {  	p1 =	por p0, p0;
	s21 =	sadd.s32 $0x40, s16;
	s25 =	sor.u32 $0x300, s7;
	[tilespmem:s24+$0x2880] =	vst v4  }
0xc2: {  	s9 =	sadd.s32 $0x2, s29;
	[tilespmem:s25+$0x2880] =	vst v5;
	s23 =	smov.u32 s29;
	s24 =	smov.u32 s28  }
.LBB2_16:
0xc3: {  	s2 =	sand.u32 $0x7, s30;
	s8 =	sadd.s32 $0x4, s8  }
0xc4: {  	v2 =	vld [tilespmem:s21+$0x0];
	p1 =	por !p1, !p1;
	s23 =	sadd.s32 $0x200, s23;
	s22 =	simm.s32 $0x1  }
0xc5: {  	s2 =	sshll.u32 s2, $0x4;
	v3 =	vld [tilespmem:s21+$0xFFFFFFD0];
	p2 =	slt.u32 s8, $0xFC;
	s22 =	simm.s32 @!p1 $0x0  }
0xc6: {  	s5 =	sand.u32 $0x3, s9;
	s2 =	sadd.s32 s2, s23;
	v4 =	vld [tilespmem:s21+$0xFFFFFFE0];
	s22 =	sshll.u32 s22, $0x6  }
0xc7: {  	s25 =	sadd.s32 $0x410, s2;
	v5 =	vld [tilespmem:s21+$0xFFFFFFF0];
	s2 =	sadd.s32 $0x430, s2;
	s22 =	sadd.s32 s22, s31  }
.Ltmp14:
0xc8: {  	s25 =	sor.u32 $0x300, s25;
	s2 =	sor.u32 $0x300, s2;
	(pc) =	sbr.rel @p2 .LBB2_16-.Ltmp14, $4  }
0xc9: {  	s24 =	sadd.s32 $0x200, s24;
	s5 =	sshll.u32 s5, $0x5;
	s22 =	sor.u32 $0x300, s22;
	[tilespmem:s2+$0x2880] =	vst v2  }
0xca: {  	s2 =	sadd.s32 s5, s24;
	[tilespmem:s22+$0x2880] =	vst v3  }
0xcb: {  	s9 =	sadd.s32 $0x2, s9;
	s2 =	sor.u32 $0x300, s2;
	[tilespmem:s25+$0x2880] =	vst v4  }
0xcc: {  	s30 =	sadd.s32 $0x4, s30;
	s31 =	sadd.s32 $0x200, s31;
	s21 =	sadd.s32 $0x40, s21;
	[tilespmem:s2+$0x2880] =	vst v5  }
.LBB2_17:
0xcd: {  	v2 =	vld [tilespmem:s17+$0x0]  }
0xce: {  	v3 =	vld [tilespmem:s17+$0xFFFFFFD0]  }
0xcf: {  	v4 =	vld [tilespmem:s17+$0xFFFFFFE0];
	s3 =	sadd.s32 $0x4, s3  }
0xd0: {  	v5 =	vld [tilespmem:s17+$0xFFFFFFF0];
	p1 =	slt.u32 s3, $0xFC  }
.Ltmp15:
0xd1: {  	s2 =	sor.u32 $0x380, s4;
	(pc) =	sbr.rel @!p1 .LBB2_19-.Ltmp15, $4  }
0xd2: {  	s30 =	sor.u32 $0x380, s6;
	[tilespmem:s2+$0x2880] =	vst v2  }
0xd3: {  	s0 =	sor.u32 $0x380, s0;
	[tilespmem:s30+$0x2880] =	vst v3  }
0xd4: {  	s31 =	sor.u32 $0x380, s7;
	s4 =	sadd.s32 $0x4, s29;
	[tilespmem:s0+$0x2880] =	vst v4  }
0xd5: {  	s1 =	sadd.s32 $0x200, s1;
	s6 =	sadd.s32 $0x40, s17;
	s0 =	sadd.s32 $0x2, s29;
	[tilespmem:s31+$0x2880] =	vst v5  }
.LBB2_18:
0xd6: {  	s2 =	sand.u32 $0x7, s4;
	s3 =	sadd.s32 $0x4, s3  }
0xd7: {  	v2 =	vld [tilespmem:s6+$0x0];
	p0 =	por !p0, !p0;
	s29 =	sadd.s32 $0x200, s29;
	s7 =	simm.s32 $0x1  }
0xd8: {  	s2 =	sshll.u32 s2, $0x4;
	v3 =	vld [tilespmem:s6+$0xFFFFFFD0];
	p1 =	slt.u32 s3, $0xFC;
	s7 =	simm.s32 @!p0 $0x0  }
0xd9: {  	s5 =	sand.u32 $0x3, s0;
	s2 =	sadd.s32 s2, s29;
	v4 =	vld [tilespmem:s6+$0xFFFFFFE0];
	s7 =	sshll.u32 s7, $0x6  }
0xda: {  	s8 =	sadd.s32 $0x410, s2;
	v5 =	vld [tilespmem:s6+$0xFFFFFFF0];
	s2 =	sadd.s32 $0x430, s2;
	s7 =	sadd.s32 s7, s1  }
.Ltmp16:
0xdb: {  	s8 =	sor.u32 $0x380, s8;
	s2 =	sor.u32 $0x380, s2;
	(pc) =	sbr.rel @p1 .LBB2_18-.Ltmp16, $4  }
0xdc: {  	s28 =	sadd.s32 $0x200, s28;
	s5 =	sshll.u32 s5, $0x5;
	s7 =	sor.u32 $0x380, s7;
	[tilespmem:s2+$0x2880] =	vst v2  }
0xdd: {  	s2 =	sadd.s32 s5, s28;
	[tilespmem:s7+$0x2880] =	vst v3  }
0xde: {  	s0 =	sadd.s32 $0x2, s0;
	s2 =	sor.u32 $0x380, s2;
	[tilespmem:s8+$0x2880] =	vst v4  }
0xdf: {  	s4 =	sadd.s32 $0x4, s4;
	s1 =	sadd.s32 $0x200, s1;
	s6 =	sadd.s32 $0x40, s6;
	[tilespmem:s2+$0x2880] =	vst v5  }
.LBB2_19:
0xe0: {  	s0 =	rddreg [dreg:$0x6]  }
0xe1: {  	[spmem:s0] =	stream.linear.scatter [tilespmem:s20], [sflag:$0x2], $0x8000, $0x38;
	[tilespmem:$0x1A880] =	vst v63  }
0xe2: {  	_ =	swait.ge [sflag:s18], $0x8000  }
0xe3: {  	[sflag:s18] =	ssyncset.done $0x0  }
0xe4: {  	[sflag:s18] =	ssyncadd.s32 $0xFFFF8000  }
0xe5: {  	s23 =	stileid.u32;
	s2 =	simm.s32 $0x80;
	[bflag:$0x0] =	sbarrier.arrive $0xFFFF  }
0xe6: {  	s3 =	simm.s32 $0x800;
	s0 =	sshll.u32 s23, $0x6;
	s24 =	rddreg [dreg:$0x7]  }
0xe7: {  	s25 =	simm.s32 $0x20;
	s28 =	sor.u32 $0x1C01, s0;
	s1 =	rddreg [dreg:$0xb]  }
0xe8: {  	[hbm:s24@s3], [sflag:s28] =	dma.strided [spmem:s1@s19], $0x8000, s2, $0x10   }
0xe9: {  	v2 =	vld [tilespmem:s25+$0x10]  }
0xea: {  	v3 =	vld [tilespmem:s25+$0xFFFFFFE0];
	_ =	sdelay $0x3  }
0xeb: {  	s29 =	simm.s32 $0x60;
	v4 =	vld [tilespmem:s25+$0xFFFFFFF0];
	v5 =	vand.u32 $0xFFFFFF80, v2  }
0xec: {  	v6 =	vld [tilespmem:s29+$0x10];
	v2 =	vand.u32 $0x7F, v2;
	v7 =	vand.u32 $0xFFFFFF80, v3;
	v5 =	vadd.s32 v1, v5  }
0xed: {  	v8 =	vld [tilespmem:s25+$0x0];
	v3 =	vand.u32 $0x7F, v3;
	v2 =	vor.u32 v2, v5;
	v5 =	vadd.s32 v1, v7  }
0xee: {  	v3 =	vor.u32 v3, v5  }
0xef: {  	v5 =	vld [tilespmem:s29+$0xFFFFFFE0]  }
0xf0: {  	v10 =	vld [tilespmem:s29+$0xFFFFFFF0];
	v7 =	vand.u32 $0xFFFFFF80, v4  }
0xf1: {  	v11 =	vld [tilespmem:s29+$0x0];
	v4 =	vand.u32 $0x7F, v4;
	v7 =	vadd.s32 v1, v7  }
0xf2: {  	v9 =	vand.u32 $0xFFFFFF80, v6;
	v12 =	vand.u32 $0xFFFFFF80, v8;
	v7 =	vor.u32 v4, v7;
	v13 =	vld.idx.msk [tilespmem:v2+s19+$0x0], $0xffff  }
0xf3: {  	s30 =	simm.s32 $0xA0;
	v2 =	vand.u32 $0x7F, v6;
	v6 =	vadd.s32 v1, v9;
	v9 =	vadd.s32 v1, v12;
	v12 =	vld.idx.msk [tilespmem:v3+s19+$0x0], $0xffff  }
0xf4: {  	v6 =	vor.u32 v2, v6;
	v2 =	vand.u32 $0x7F, v8;
	v8 =	vld [tilespmem:s30+$0x10];
	v3 =	vand.u32 $0xFFFFFF80, v5  }
0xf5: {  	v4 =	vand.u32 $0x7F, v5;
	v14 =	vor.u32 v2, v9;
	v2 =	vld [tilespmem:s30+$0xFFFFFFF0];
	v5 =	vadd.s32 v1, v3  }
0xf6: {  	v9 =	vand.u32 $0xFFFFFF80, v10;
	v3 =	vld [tilespmem:s30+$0x0];
	v15 =	vor.u32 v4, v5  }
0xf7: {  	v4 =	vadd.s32 v1, v9;
	v5 =	vand.u32 $0xFFFFFF80, v11;
	v9 =	vld [tilespmem:s30+$0xFFFFFFE0]  }
0xf8: {  	v7 =	vld.idx.msk [tilespmem:v7+s19+$0x0], $0xffff;
	v16 =	vadd.s32 v1, v5;
	v5 =	vand.u32 $0x7F, v10;
	v10 =	vand.u32 $0x7F, v11  }
0xf9: {  	s0 =	simm.s32 $0x0;
	s1 =	simm.s32 $0x18B0;
	v5 =	vor.u32 v5, v4;
	v4 =	vor.u32 v10, v16;
	v6 =	vld.idx.msk [tilespmem:v6+s19+$0x0], $0xffff;
	v10 =	vand.u32 $0xFFFFFF80, v8  }
0xfa: {  	s31 =	sand.u32 $0xFC0, s0;
	[tilespmem:s1+$0x0] =	vst v13;
	v63 =	vand.u32 $0x7F, v8;
	v11 =	vand.u32 $0xFFFFFF80, v2;
	v10 =	vadd.s32 v1, v10;
	v8 =	vld.idx.msk [tilespmem:v14+s19+$0x0], $0xffff  }
0xfb: {  	s4 =	simm.s32 $0x8;
	s6 =	simm.s32 $0xE0;
	s3 =	simm.s32 $0x18B0;
	[tilespmem:s31+$0x1880] =	vst v12;
	v13 =	vand.u32 $0xFFFFFF80, v3;
	v12 =	vadd.s32 v1, v11;
	v11 =	vor.u32 v63, v10;
	v10 =	vld.idx.msk [tilespmem:v15+s19+$0x0], $0xffff  }
.LBB2_20:
0xfc: {  	v14 =	vld [tilespmem:s6+$0x10];
	s4 =	sadd.s32 $0x4, s4;
	v15 =	vand.u32 $0xFFFFFF80, v9;
	v9 =	vand.u32 $0x7F, v9;
	v13 =	vadd.s32 v1, v13  }
0xfd: {  	v16 =	vand.u32 $0x7F, v2;
	v17 =	vand.u32 $0x7F, v3;
	s1 =	sadd.s32 $0x40, s1;
	p0 =	slt.u32 s4, $0xFC;
	v15 =	vadd.s32 v1, v15;
	v2 =	vld [tilespmem:s6+$0xFFFFFFF0]  }
0xfe: {  	v12 =	vor.u32 v16, v12;
	v13 =	vor.u32 v17, v13;
	v3 =	vld [tilespmem:s6+$0x0];
	v15 =	vor.u32 v9, v15;
	[tilespmem:s1+$0x0] =	vst v6  }
.Ltmp17:
0xff: {  	s0 =	sadd.s32 $0x40, s0;
	v9 =	vld [tilespmem:s6+$0xFFFFFFE0];
	[tilespmem:s3+$0xFFFFFFE0] =	vst v7;
	(pc) =	sbr.rel @p0 .LBB2_20-.Ltmp17, $4  }
0x100: {  	s2 =	sand.u32 $0xFC0, s0;
	v6 =	vld.idx.msk [tilespmem:v11+s19+$0x0], $0xffff;
	[tilespmem:s3+$0xFFFFFFF0] =	vst v8;
	s3 =	smov.u32 s1  }
0x101: {  	v8 =	vand.u32 $0xFFFFFF80, v14;
	[tilespmem:s2+$0x1880] =	vst v10;
	v7 =	vld.idx.msk [tilespmem:v5+s19+$0x0], $0xffff;
	v5 =	vmov v12  }
0x102: {  	v11 =	vand.u32 $0x7F, v14;
	v10 =	vand.u32 $0xFFFFFF80, v2;
	v14 =	vadd.s32 v1, v8;
	v8 =	vld.idx.msk [tilespmem:v4+s19+$0x0], $0xffff;
	v4 =	vmovc v13  }
0x103: {  	s6 =	sadd.s32 $0x40, s6;
	v12 =	vadd.s32 v1, v10;
	v13 =	vand.u32 $0xFFFFFF80, v3;
	v11 =	vor.u32 v11, v14;
	v10 =	vld.idx.msk [tilespmem:v15+s19+$0x0], $0xffff  }
0x104: {  	_ = 	snop  }
0x105: {  	v14 =	vand.u32 $0xFFFFFF80, v9;
	v2 =	vand.u32 $0x7F, v2  }
0x106: {  	v13 =	vadd.s32 v1, v13;
	v3 =	vand.u32 $0x7F, v3;
	v2 =	vor.u32 v2, v12  }
0x107: {  	v62 =	vand.u32 $0x7F, v9;
	v14 =	vadd.s32 v1, v14;
	v3 =	vor.u32 v3, v13  }
0x108: {  	s1 =	sadd.s32 $0x40, s1;
	v11 =	vld.idx.msk [tilespmem:v11+s19+$0x0], $0xffff;
	v9 =	vor.u32 v62, v14  }
0x109: {  	v5 =	vld.idx.msk [tilespmem:v5+s19+$0x0], $0xffff;
	[tilespmem:s1+$0x0] =	vst v6  }
0x10a: {  	s0 =	sadd.s32 $0x40, s0;
	v4 =	vld.idx.msk [tilespmem:v4+s19+$0x0], $0xffff;
	[tilespmem:s3+$0xFFFFFFE0] =	vst v7  }
0x10b: {  	s2 =	sand.u32 $0xFC0, s0;
	[tilespmem:s3+$0xFFFFFFF0] =	vst v8;
	v2 =	vld.idx.msk [tilespmem:v2+s19+$0x0], $0xffff  }
0x10c: {  	s23 =	sadd.s32 $0x40, s1;
	[tilespmem:s2+$0x1880] =	vst v10;
	v3 =	vld.idx.msk [tilespmem:v3+s19+$0x0], $0xffff  }
0x10d: {  	[tilespmem:s23+$0x0] =	vst v11;
	v63 =	vld.idx.msk [tilespmem:v9+s19+$0x0], $0xffff  }
0x10e: {  	[tilespmem:s1+$0xFFFFFFE0] =	vst v5  }
0x10f: {  	[tilespmem:s1+$0xFFFFFFF0] =	vst v4  }
0x110: {  	s0 =	sadd.s32 $0x40, s0;
	[tilespmem:s23+$0xFFFFFFE0] =	vst v2  }
0x111: {  	s0 =	sand.u32 $0xFC0, s0;
	[tilespmem:s23+$0xFFFFFFF0] =	vst v3  }
0x112: {  	[tilespmem:s0+$0x1880] =	vst v63  }
0x113: {  	v3 =	vld [tilespmem:s10+$0x0]  }
0x114: {  	s29 =	simm.s32 $0x400;
	s30 =	simm.s32 $0x80;
	s4 =	simm.s32 $0x8  }
0x115: {  	p0 =	por $0x1, $0x1;
	s31 =	simm.s32 $0xB0;
	s24 =	sand.u32 $0x7C00, s29  }
0x116: {  	s25 =	simm.s32 $0x90;
	s3 =	sand.u32 $0x70, s31;
	s1 =	sadd.s32 $0x2880, s24;
	v4 =	vld [tilespmem:s10+$0xFFFFFFE0]  }
.Ltmp18:
0x117: {  	s5 =	simm.s32 $0xA0;
	s6 =	sor.u32 s3, s1;
	v2 =	vld [tilespmem:s10+$0xFFFFFFF0];
	(pc) =	sbr.rel @!p0 .LBB2_23-.Ltmp18, $4  }
0x118: {  	s9 =	simm.s32 $0x400;
	s21 =	simm.s32 $0x80;
	s2 =	sand.u32 $0x50, s25;
	[tilespmem:s6+$0x0] =	vst v3;
	v3 =	vld [tilespmem:s10+$0xFFFFFFD0]  }
0x119: {  	s5 =	sand.u32 $0x60, s5;
	s8 =	sand.u32 $0x40, s30;
	s7 =	sor.u32 s2, s1  }
0x11a: {  	s3 =	sor.u32 s5, s1;
	s1 =	sor.u32 s8, s1;
	s8 =	sadd.s32 $0x40, s10  }
0x11b: {  	s22 =	smov.u32 s1;
	s23 =	smov.u32 s3;
	s0 =	simm.s32 $0x4;
	[tilespmem:s7+$0x0] =	vst v4  }
.LBB2_22:
0x11c: {  	v4 =	vld [tilespmem:s8+$0x0];
	s4 =	sadd.s32 $0x4, s4;
	[tilespmem:s23+$0x0] =	vst v2;
	s9 =	sadd.s32 $0x200, s9  }
0x11d: {  	s21 =	sadd.s32 $0x40, s21;
	v5 =	vld [tilespmem:s8+$0xFFFFFFE0];
	p0 =	slt.u32 s4, $0xFC;
	[tilespmem:s22+$0x0] =	vst v3;
	s2 =	sand.u32 $0x7C00, s9  }
.Ltmp19:
0x11e: {  	s5 =	sadd.s32 $0x10, s21;
	s22 =	sadd.s32 $0x30, s21;
	v2 =	vld [tilespmem:s8+$0xFFFFFFF0];
	(pc) =	sbr.rel @p0 .LBB2_22-.Ltmp19, $4  }
0x11f: {  	s23 =	sadd.s32 $0x20, s21;
	s2 =	sadd.s32 $0x2880, s2;
	s22 =	sand.u32 $0x70, s22;
	v3 =	vld [tilespmem:s8+$0xFFFFFFD0]  }
0x120: {  	s5 =	sand.u32 $0x50, s5;
	s23 =	sand.u32 $0x60, s23;
	s22 =	sor.u32 s22, s2  }
0x121: {  	s24 =	sand.u32 $0x40, s21;
	s5 =	sor.u32 s5, s2;
	s23 =	sor.u32 s23, s2;
	[tilespmem:s22+$0x0] =	vst v4  }
0x122: {  	s8 =	sadd.s32 $0x40, s8;
	s22 =	sor.u32 s24, s2;
	[tilespmem:s5+$0x0] =	vst v5  }
.LBB2_23:
0x123: {  	[tilespmem:s23+$0x0] =	vst v2  }
0x124: {  	[tilespmem:s22+$0x0] =	vst v3  }
0x125: {  	v3 =	vld [tilespmem:s11+$0x0];
	_ =	sdelay $0x2  }
0x126: {  	p0 =	por $0x1, $0x1;
	v4 =	vld [tilespmem:s11+$0xFFFFFFE0]  }
.Ltmp20:
0x127: {  	v2 =	vld [tilespmem:s11+$0xFFFFFFF0];
	(pc) =	sbr.rel @!p0 .LBB2_25-.Ltmp20, $3  }
0x128: {  	[tilespmem:s6+$0x80] =	vst v3;
	v3 =	vld [tilespmem:s11+$0xFFFFFFD0];
	_ =	sdelay $0x1  }
0x129: {  	s4 =	simm.s32 $0x8  }
0x12a: {  	s8 =	simm.s32 $0x80;
	[tilespmem:s7+$0x80] =	vst v4;
	s6 =	smov.u32 s11;
	s7 =	simm.s32 $0x400  }
.LBB2_24:
0x12b: {  	[tilespmem:s3+$0x80] =	vst v2;
	s6 =	sadd.s32 $0x40, s6  }
0x12c: {  	s4 =	sadd.s32 $0x4, s4;
	s7 =	sadd.s32 $0x200, s7;
	v4 =	vld [tilespmem:s6+$0x0];
	[tilespmem:s1+$0x80] =	vst v3  }
0x12d: {  	s8 =	sadd.s32 $0x40, s8;
	p0 =	slt.u32 s4, $0xFC;
	s1 =	sand.u32 $0x7C00, s7;
	v5 =	vld [tilespmem:s6+$0xFFFFFFE0]  }
.Ltmp21:
0x12e: {  	s2 =	sadd.s32 $0x10, s8;
	s3 =	sadd.s32 $0x30, s8;
	v2 =	vld [tilespmem:s6+$0xFFFFFFF0];
	(pc) =	sbr.rel @p0 .LBB2_24-.Ltmp21, $4  }
0x12f: {  	s5 =	sadd.s32 $0x20, s8;
	s1 =	sadd.s32 $0x2880, s1;
	s3 =	sand.u32 $0x70, s3;
	v3 =	vld [tilespmem:s6+$0xFFFFFFD0]  }
0x130: {  	s2 =	sand.u32 $0x50, s2;
	s5 =	sand.u32 $0x60, s5;
	s9 =	sor.u32 s3, s1  }
0x131: {  	s21 =	sand.u32 $0x40, s8;
	s2 =	sor.u32 s2, s1;
	s3 =	sor.u32 s5, s1;
	[tilespmem:s9+$0x80] =	vst v4  }
0x132: {  	s1 =	sor.u32 s21, s1;
	[tilespmem:s2+$0x80] =	vst v5  }
.LBB2_25:
0x133: {  	[tilespmem:s3+$0x80] =	vst v2  }
0x134: {  	[tilespmem:s1+$0x80] =	vst v3  }
0x135: {  	v3 =	vld [tilespmem:s12+$0x0];
	_ =	sdelay $0x1  }
0x136: {  	s2 =	sand.u32 $0x7C00, s29;
	s5 =	sadd.s32 $0x30, s30;
	s1 =	sadd.s32 $0x4, s0  }
0x137: {  	s3 =	sadd.s32 $0x2880, s2;
	s5 =	sand.u32 $0x70, s5;
	v4 =	vld [tilespmem:s12+$0xFFFFFFE0];
	p0 =	slt.u32 s1, $0xFC  }
.Ltmp22:
0x138: {  	s9 =	sor.u32 s5, s3;
	v2 =	vld [tilespmem:s12+$0xFFFFFFF0];
	(pc) =	sbr.rel @!p0 .LBB2_27-.Ltmp22, $4  }
0x139: {  	s4 =	sadd.s32 $0x10, s30;
	s31 =	sadd.s32 $0x20, s30;
	s6 =	sand.u32 $0x40, s30;
	[tilespmem:s9+$0x100] =	vst v3;
	v3 =	vld [tilespmem:s12+$0xFFFFFFD0]  }
0x13a: {  	s21 =	smov.u32 s29;
	s4 =	sand.u32 $0x50, s4;
	s2 =	sand.u32 $0x60, s31  }
0x13b: {  	s22 =	smov.u32 s30;
	s8 =	sor.u32 s4, s3;
	s7 =	sor.u32 s2, s3  }
0x13c: {  	s23 =	sor.u32 s6, s3;
	s4 =	sadd.s32 $0x40, s12;
	s24 =	smov.u32 s7;
	[tilespmem:s8+$0x100] =	vst v4  }
.LBB2_26:
0x13d: {  	v4 =	vld [tilespmem:s4+$0x0];
	s1 =	sadd.s32 $0x4, s1;
	[tilespmem:s24+$0x100] =	vst v2;
	s21 =	sadd.s32 $0x200, s21  }
0x13e: {  	s22 =	sadd.s32 $0x40, s22;
	v5 =	vld [tilespmem:s4+$0xFFFFFFE0];
	p0 =	slt.u32 s1, $0xFC;
	[tilespmem:s23+$0x100] =	vst v3;
	s2 =	sand.u32 $0x7C00, s21  }
.Ltmp23:
0x13f: {  	s5 =	sadd.s32 $0x10, s22;
	s23 =	sadd.s32 $0x30, s22;
	v2 =	vld [tilespmem:s4+$0xFFFFFFF0];
	(pc) =	sbr.rel @p0 .LBB2_26-.Ltmp23, $4  }
0x140: {  	s24 =	sadd.s32 $0x20, s22;
	s2 =	sadd.s32 $0x2880, s2;
	s23 =	sand.u32 $0x70, s23;
	v3 =	vld [tilespmem:s4+$0xFFFFFFD0]  }
0x141: {  	s5 =	sand.u32 $0x50, s5;
	s24 =	sand.u32 $0x60, s24;
	s23 =	sor.u32 s23, s2  }
0x142: {  	s25 =	sand.u32 $0x40, s22;
	s5 =	sor.u32 s5, s2;
	s24 =	sor.u32 s24, s2;
	[tilespmem:s23+$0x100] =	vst v4  }
0x143: {  	s4 =	sadd.s32 $0x40, s4;
	s23 =	sor.u32 s25, s2;
	[tilespmem:s5+$0x100] =	vst v5  }
.LBB2_27:
0x144: {  	[tilespmem:s24+$0x100] =	vst v2  }
0x145: {  	s21 =	sadd.s32 $0x4, s0;
	[tilespmem:s23+$0x100] =	vst v3  }
0x146: {  	p0 =	slt.u32 s21, $0xFC;
	v5 =	vld [tilespmem:s13+$0x0]  }
.Ltmp24:
0x147: {  	v2 =	vld [tilespmem:s13+$0xFFFFFFE0];
	(pc) =	sbr.rel @!p0 .LBB2_29-.Ltmp24, $4  }
0x148: {  	v3 =	vld [tilespmem:s13+$0xFFFFFFF0]  }
0x149: {  	v4 =	vld [tilespmem:s13+$0xFFFFFFD0]  }
0x14a: {  	p1 =	por $0x0, $0x0;
	s22 =	simm.s32 $0x420;
	s0 =	simm.s32 $0x400  }
0x14b: {  	s4 =	simm.s32 $0x4;
	s24 =	simm.s32 $0x0;
	s1 =	smov.u32 s13;
	[tilespmem:s9+$0x180] =	vst v5  }
.LBB2_28:
0x14c: {  	s2 =	sor.u32 s6, s3;
	[tilespmem:s8+$0x180] =	vst v2  }
0x14d: {  	s1 =	sadd.s32 $0x40, s1;
	s21 =	sadd.s32 $0x4, s21;
	[tilespmem:s7+$0x180] =	vst v3  }
0x14e: {  	p0 =	slt.u32 s21, $0xFC;
	v5 =	vld [tilespmem:s1+$0x0];
	[tilespmem:s2+$0x180] =	vst v4  }
.Ltmp25:
0x14f: {  	s29 =	sadd.s32 $0x200, s29;
	s30 =	sadd.s32 $0x40, s30;
	v2 =	vld [tilespmem:s1+$0xFFFFFFE0];
	(pc) =	sbr.rel @p0 .LBB2_28-.Ltmp25, $4  }
0x150: {  	s5 =	sadd.s32 $0x10, s30;
	s6 =	sadd.s32 $0x30, s30;
	s2 =	sand.u32 $0x7C00, s29;
	v3 =	vld [tilespmem:s1+$0xFFFFFFF0]  }
0x151: {  	s6 =	sand.u32 $0x70, s6;
	s3 =	sadd.s32 $0x2880, s2;
	s2 =	sadd.s32 $0x20, s30;
	v4 =	vld [tilespmem:s1+$0xFFFFFFD0]  }
0x152: {  	s5 =	sand.u32 $0x50, s5;
	s2 =	sand.u32 $0x60, s2;
	s9 =	sor.u32 s6, s3  }
0x153: {  	s6 =	sand.u32 $0x40, s30;
	s8 =	sor.u32 s5, s3;
	s7 =	sor.u32 s2, s3;
	[tilespmem:s9+$0x180] =	vst v5  }
.LBB2_29:
0x154: {  	[tilespmem:s8+$0x180] =	vst v2  }
0x155: {  	s1 =	sor.u32 s6, s3;
	[tilespmem:s7+$0x180] =	vst v3  }
0x156: {  	[tilespmem:s1+$0x180] =	vst v4  }
0x157: {  	s8 =	sand.u32 $0x7, s24;
	s2 =	simm.s32 $0x1;
	v2 =	vld [tilespmem:s14+$0x0]  }
0x158: {  	s9 =	sand.u32 $0x3, s24;
	s3 =	sadd.s32 $0x4, s4;
	s1 =	sshll.u32 s8, $0x4;
	v3 =	vld [tilespmem:s14+$0xFFFFFFD0]  }
0x159: {  	s29 =	sadd.s32 $0x4, s24;
	s2 =	simm.s32 @!p1 $0x0;
	s1 =	sadd.s32 s1, s24;
	v4 =	vld [tilespmem:s14+$0xFFFFFFE0]  }
0x15a: {  	p2 =	slt.u32 s3, $0xFC;
	s2 =	sshll.u32 s2, $0x6;
	v5 =	vld [tilespmem:s14+$0xFFFFFFF0];
	s30 =	sadd.s32 $0x430, s1  }
.Ltmp26:
0x15b: {  	s7 =	sadd.s32 s2, s0;
	s20 =	sor.u32 $0x200, s30;
	(pc) =	sbr.rel @!p2 .LBB2_31-.Ltmp26, $4  }
0x15c: {  	s6 =	sshll.u32 s9, $0x5;
	s8 =	sadd.s32 $0x410, s1;
	s21 =	sor.u32 $0x200, s7;
	[tilespmem:s20+$0x2880] =	vst v2  }
0x15d: {  	p0 =	por p1, p1;
	s5 =	sadd.s32 s6, s22;
	s23 =	sor.u32 $0x200, s8;
	[tilespmem:s21+$0x2880] =	vst v3  }
0x15e: {  	s31 =	smov.u32 s22;
	s9 =	sadd.s32 $0x2, s24;
	s25 =	sor.u32 $0x200, s5;
	[tilespmem:s23+$0x2880] =	vst v4  }
0x15f: {  	s1 =	smov.u32 s24;
	[tilespmem:s25+$0x2880] =	vst v5;
	s21 =	sadd.s32 $0x200, s0;
	s23 =	sadd.s32 $0x40, s14  }
.LBB2_30:
0x160: {  	s2 =	sand.u32 $0x7, s29;
	s3 =	sadd.s32 $0x4, s3  }
0x161: {  	v2 =	vld [tilespmem:s23+$0x0];
	p0 =	por !p0, !p0;
	s1 =	sadd.s32 $0x200, s1;
	s25 =	simm.s32 $0x1  }
0x162: {  	s2 =	sshll.u32 s2, $0x4;
	v3 =	vld [tilespmem:s23+$0xFFFFFFD0];
	p2 =	slt.u32 s3, $0xFC;
	s25 =	simm.s32 @!p0 $0x0  }
0x163: {  	s5 =	sand.u32 $0x3, s9;
	s2 =	sadd.s32 s2, s1;
	v4 =	vld [tilespmem:s23+$0xFFFFFFE0];
	s25 =	sshll.u32 s25, $0x6  }
0x164: {  	s20 =	sadd.s32 $0x410, s2;
	v5 =	vld [tilespmem:s23+$0xFFFFFFF0];
	s2 =	sadd.s32 $0x430, s2;
	s25 =	sadd.s32 s25, s21  }
.Ltmp27:
0x165: {  	s20 =	sor.u32 $0x200, s20;
	s2 =	sor.u32 $0x200, s2;
	(pc) =	sbr.rel @p2 .LBB2_30-.Ltmp27, $4  }
0x166: {  	s31 =	sadd.s32 $0x200, s31;
	s5 =	sshll.u32 s5, $0x5;
	s25 =	sor.u32 $0x200, s25;
	[tilespmem:s2+$0x2880] =	vst v2  }
0x167: {  	s2 =	sadd.s32 s5, s31;
	[tilespmem:s25+$0x2880] =	vst v3  }
0x168: {  	s9 =	sadd.s32 $0x2, s9;
	s2 =	sor.u32 $0x200, s2;
	[tilespmem:s20+$0x2880] =	vst v4  }
0x169: {  	s29 =	sadd.s32 $0x4, s29;
	s21 =	sadd.s32 $0x200, s21;
	s23 =	sadd.s32 $0x40, s23;
	[tilespmem:s2+$0x2880] =	vst v5  }
.LBB2_31:
0x16a: {  	s9 =	sadd.s32 $0x4, s4  }
0x16b: {  	v5 =	vld [tilespmem:s15+$0x0];
	p2 =	slt.u32 s9, $0xFC  }
.Ltmp28:
0x16c: {  	v2 =	vld [tilespmem:s15+$0xFFFFFFD0];
	(pc) =	sbr.rel @!p2 .LBB2_33-.Ltmp28, $4  }
0x16d: {  	p0 =	por $0x0, $0x0;
	s29 =	simm.s32 $0x420;
	v3 =	vld [tilespmem:s15+$0xFFFFFFE0]  }
0x16e: {  	s3 =	simm.s32 $0x400;
	s4 =	simm.s32 $0x4;
	s1 =	sor.u32 $0x280, s30;
	v4 =	vld [tilespmem:s15+$0xFFFFFFF0]  }
0x16f: {  	s30 =	simm.s32 $0x0;
	s21 =	sor.u32 $0x280, s8;
	s23 =	sor.u32 $0x280, s7  }
0x170: {  	s7 =	smov.u32 s15;
	s8 =	smov.u32 s24;
	[tilespmem:s1+$0x2880] =	vst v5;
	s1 =	smov.u32 s24  }
.LBB2_32:
0x171: {  	s2 =	sadd.s32 s6, s22;
	[tilespmem:s23+$0x2880] =	vst v2  }
0x172: {  	[tilespmem:s21+$0x2880] =	vst v3;
	s2 =	sor.u32 $0x280, s2  }
0x173: {  	s24 =	sadd.s32 $0x2, s24;
	s1 =	sadd.s32 $0x4, s1;
	s0 =	sadd.s32 $0x200, s0;
	[tilespmem:s2+$0x2880] =	vst v4  }
0x174: {  	s7 =	sadd.s32 $0x40, s7;
	s9 =	sadd.s32 $0x4, s9;
	p1 =	por !p1, !p1  }
0x175: {  	s8 =	sadd.s32 $0x200, s8;
	p2 =	slt.u32 s9, $0xFC;
	s2 =	sand.u32 $0x7, s1;
	v5 =	vld [tilespmem:s7+$0x0]  }
.Ltmp29:
0x176: {  	s6 =	simm.s32 $0x1;
	s2 =	sshll.u32 s2, $0x4;
	v2 =	vld [tilespmem:s7+$0xFFFFFFD0];
	(pc) =	sbr.rel @p2 .LBB2_32-.Ltmp29, $4  }
0x177: {  	s5 =	sand.u32 $0x3, s24;
	s6 =	simm.s32 @!p1 $0x0;
	s2 =	sadd.s32 s2, s8;
	v3 =	vld [tilespmem:s7+$0xFFFFFFE0]  }
0x178: {  	s6 =	sshll.u32 s6, $0x6;
	s20 =	sadd.s32 $0x410, s2;
	s2 =	sadd.s32 $0x430, s2;
	v4 =	vld [tilespmem:s7+$0xFFFFFFF0]  }
0x179: {  	s23 =	sadd.s32 s6, s0;
	s21 =	sor.u32 $0x280, s20;
	s2 =	sor.u32 $0x280, s2  }
0x17a: {  	s22 =	sadd.s32 $0x200, s22;
	s6 =	sshll.u32 s5, $0x5;
	s23 =	sor.u32 $0x280, s23;
	[tilespmem:s2+$0x2880] =	vst v5  }
.LBB2_33:
0x17b: {  	s0 =	sadd.s32 s6, s22;
	[tilespmem:s23+$0x2880] =	vst v2  }
0x17c: {  	[tilespmem:s21+$0x2880] =	vst v3;
	s0 =	sor.u32 $0x280, s0  }
0x17d: {  	[tilespmem:s0+$0x2880] =	vst v4  }
0x17e: {  	s22 =	sand.u32 $0x7, s30;
	s1 =	simm.s32 $0x1;
	v2 =	vld [tilespmem:s16+$0x0]  }
0x17f: {  	s5 =	sand.u32 $0x3, s30;
	s8 =	sadd.s32 $0x4, s4;
	s0 =	sshll.u32 s22, $0x4;
	v3 =	vld [tilespmem:s16+$0xFFFFFFD0]  }
0x180: {  	s31 =	sadd.s32 $0x4, s30;
	s1 =	simm.s32 @!p0 $0x0;
	s0 =	sadd.s32 s0, s30;
	v4 =	vld [tilespmem:s16+$0xFFFFFFE0]  }
0x181: {  	p2 =	slt.u32 s8, $0xFC;
	s2 =	sshll.u32 s1, $0x6;
	v5 =	vld [tilespmem:s16+$0xFFFFFFF0];
	s1 =	sadd.s32 $0x430, s0  }
.Ltmp30:
0x182: {  	s6 =	sadd.s32 s2, s3;
	s23 =	sor.u32 $0x300, s1;
	(pc) =	sbr.rel @!p2 .LBB2_35-.Ltmp30, $4  }
0x183: {  	s5 =	sshll.u32 s5, $0x5;
	s0 =	sadd.s32 $0x410, s0;
	s9 =	sor.u32 $0x300, s6;
	[tilespmem:s23+$0x2880] =	vst v2  }
0x184: {  	p1 =	por p0, p0;
	s7 =	sadd.s32 s5, s29;
	s24 =	sor.u32 $0x300, s0;
	[tilespmem:s9+$0x2880] =	vst v3  }
0x185: {  	s21 =	sadd.s32 $0x200, s3;
	s22 =	smov.u32 s29;
	s25 =	sor.u32 $0x300, s7;
	[tilespmem:s24+$0x2880] =	vst v4  }
0x186: {  	s9 =	sadd.s32 $0x2, s30;
	[tilespmem:s25+$0x2880] =	vst v5;
	s23 =	sadd.s32 $0x40, s16;
	s24 =	smov.u32 s30  }
.LBB2_34:
0x187: {  	s2 =	sand.u32 $0x7, s31;
	s8 =	sadd.s32 $0x4, s8  }
0x188: {  	v2 =	vld [tilespmem:s23+$0x0];
	p1 =	por !p1, !p1;
	s24 =	sadd.s32 $0x200, s24;
	s20 =	simm.s32 $0x1  }
0x189: {  	s2 =	sshll.u32 s2, $0x4;
	v3 =	vld [tilespmem:s23+$0xFFFFFFD0];
	p2 =	slt.u32 s8, $0xFC;
	s20 =	simm.s32 @!p1 $0x0  }
0x18a: {  	s5 =	sand.u32 $0x3, s9;
	s2 =	sadd.s32 s2, s24;
	v4 =	vld [tilespmem:s23+$0xFFFFFFE0];
	s20 =	sshll.u32 s20, $0x6  }
0x18b: {  	s25 =	sadd.s32 $0x410, s2;
	v5 =	vld [tilespmem:s23+$0xFFFFFFF0];
	s2 =	sadd.s32 $0x430, s2;
	s20 =	sadd.s32 s20, s21  }
.Ltmp31:
0x18c: {  	s25 =	sor.u32 $0x300, s25;
	s2 =	sor.u32 $0x300, s2;
	(pc) =	sbr.rel @p2 .LBB2_34-.Ltmp31, $4  }
0x18d: {  	s22 =	sadd.s32 $0x200, s22;
	s5 =	sshll.u32 s5, $0x5;
	s20 =	sor.u32 $0x300, s20;
	[tilespmem:s2+$0x2880] =	vst v2  }
0x18e: {  	s2 =	sadd.s32 s5, s22;
	[tilespmem:s20+$0x2880] =	vst v3  }
0x18f: {  	s9 =	sadd.s32 $0x2, s9;
	s2 =	sor.u32 $0x300, s2;
	[tilespmem:s25+$0x2880] =	vst v4  }
0x190: {  	s31 =	sadd.s32 $0x4, s31;
	s21 =	sadd.s32 $0x200, s21;
	s23 =	sadd.s32 $0x40, s23;
	[tilespmem:s2+$0x2880] =	vst v5  }
.LBB2_35:
0x191: {  	v2 =	vld [tilespmem:s17+$0x0];
	_ =	sdelay $0x3  }
0x192: {  	v3 =	vld [tilespmem:s17+$0xFFFFFFD0];
	s1 =	sor.u32 $0x380, s1  }
0x193: {  	v4 =	vld [tilespmem:s17+$0xFFFFFFE0];
	[tilespmem:s1+$0x2880] =	vst v2;
	s1 =	sadd.s32 $0x4, s4  }
0x194: {  	v5 =	vld [tilespmem:s17+$0xFFFFFFF0];
	p1 =	slt.u32 s1, $0xFC  }
.Ltmp32:
0x195: {  	_ = 	snop;
	(pc) =	sbr.rel @!p1 .LBB2_37-.Ltmp32, $4  }
0x196: {  	s2 =	sor.u32 $0x380, s6  }
0x197: {  	s0 =	sor.u32 $0x380, s0;
	[tilespmem:s2+$0x2880] =	vst v3  }
0x198: {  	s31 =	sor.u32 $0x380, s7;
	s3 =	sadd.s32 $0x200, s3;
	[tilespmem:s0+$0x2880] =	vst v4  }
0x199: {  	s6 =	sadd.s32 $0x40, s17;
	s0 =	sadd.s32 $0x2, s30;
	[tilespmem:s31+$0x2880] =	vst v5;
	s4 =	sadd.s32 $0x4, s30  }
.LBB2_36:
0x19a: {  	s2 =	sand.u32 $0x7, s4;
	s1 =	sadd.s32 $0x4, s1  }
0x19b: {  	v2 =	vld [tilespmem:s6+$0x0];
	p0 =	por !p0, !p0;
	s30 =	sadd.s32 $0x200, s30;
	s7 =	simm.s32 $0x1  }
0x19c: {  	s2 =	sshll.u32 s2, $0x4;
	v3 =	vld [tilespmem:s6+$0xFFFFFFD0];
	p1 =	slt.u32 s1, $0xFC;
	s7 =	simm.s32 @!p0 $0x0  }
0x19d: {  	s5 =	sand.u32 $0x3, s0;
	s2 =	sadd.s32 s2, s30;
	v4 =	vld [tilespmem:s6+$0xFFFFFFE0];
	s7 =	sshll.u32 s7, $0x6  }
0x19e: {  	s8 =	sadd.s32 $0x410, s2;
	v5 =	vld [tilespmem:s6+$0xFFFFFFF0];
	s2 =	sadd.s32 $0x430, s2;
	s7 =	sadd.s32 s7, s3  }
.Ltmp33:
0x19f: {  	s8 =	sor.u32 $0x380, s8;
	s2 =	sor.u32 $0x380, s2;
	(pc) =	sbr.rel @p1 .LBB2_36-.Ltmp33, $4  }
0x1a0: {  	s29 =	sadd.s32 $0x200, s29;
	s5 =	sshll.u32 s5, $0x5;
	s7 =	sor.u32 $0x380, s7;
	[tilespmem:s2+$0x2880] =	vst v2  }
0x1a1: {  	s2 =	sadd.s32 s5, s29;
	[tilespmem:s7+$0x2880] =	vst v3  }
0x1a2: {  	s0 =	sadd.s32 $0x2, s0;
	s2 =	sor.u32 $0x380, s2;
	[tilespmem:s8+$0x2880] =	vst v4  }
0x1a3: {  	s4 =	sadd.s32 $0x4, s4;
	s3 =	sadd.s32 $0x200, s3;
	s6 =	sadd.s32 $0x40, s6;
	[tilespmem:s2+$0x2880] =	vst v5  }
.LBB2_37:
0x1a4: {  	s0 =	rddreg [dreg:$0x8];
	s20 =	simm.s32 $0x2880  }
0x1a5: {  	[spmem:s0] =	stream.linear.scatter [tilespmem:s20], [sflag:$0x2], $0x8000, $0x38;
	[tilespmem:$0x1A880] =	vst v63  }
0x1a6: {  	_ =	swait.ge [sflag:s18], $0x8000  }
0x1a7: {  	[sflag:s18] =	ssyncset.done $0x0  }
0x1a8: {  	[sflag:s18] =	ssyncadd.s32 $0xFFFF8000  }
0x1a9: {  	[bflag:$0x0] =	sbarrier.arrive $0xFFFF  }
0x1aa: {  	s1 =	simm.s32 $0x80;
	s29 =	rddreg [dreg:$0x9]  }
0x1ab: {  	s2 =	simm.s32 $0x800;
	s30 =	simm.s32 $0x1;
	s3 =	rddreg [dreg:$0xc]  }
0x1ac: {  	[hbm:s29@s2], [sflag:s28] =	dma.strided [spmem:s3@s19], $0x8000, s1, $0x10   }
0x1ad: {  	_ =	swait.ge [sflag:s30], $0x8000  }
0x1ae: {  	[sflag:s30] =	ssyncset.done $0x0  }
0x1af: {  	[sflag:s30] =	ssyncadd.s32 $0xFFFF8000  }
0x1b0: {  	_ =	swait.ge [sflag:s30], $0x8000  }
0x1b1: {  	s26 =	sadd.s32 $0x1, s26;
	s31 =	rddreg [dreg:$0xa]  }
0x1b2: {  	p0 =	sne.s32 s26, s31  }
.Ltmp34:
0x1b3: {  	_ = 	snop;
	(pc) =	sbr.rel @p0 .LBB2_1-.Ltmp34, $3  }
0x1b4: {  	_ =	sdelay $0x1  }
0x1b5: {  	[sflag:s30] =	ssyncset.done $0x0  }
0x1b6: {  	[sflag:s30] =	ssyncadd.s32 $0xFFFF8000  }
0x1b7: {  	_ =	sfence.sel $0x180000  }
0x1b8: {  	[bflag:$0x0] =	sbarrier.arrive $0xFFFF  }
0x1b9: {  	_ =	strace $0x90000047  }
0x1ba: {  	s0 =	stileid.u32;
	[bflag:$0x2] =	sbarrier.arrive $0xFFFF  }
0x1bb: {  	p0 =	sne.s32 s0, $0x0;
	s0 =	rddreg [dreg:$0x4]  }
0x1bc: {  	s0 =	sadd.s32 @!p0 $0x100000, s0  }
0x1bd: {  	[sflag:s0] =	ssyncadd.tile.s32 @!p0 $0x1;
	_ =	shalt  }
.Lfunc_end2:
_tile_overlayer_lowered:
.L_overlay_start_2:
0x1be: {  	(tag) =	ssettag $0x2  }
0x1bf: {  	s0 =	rddreg [dreg:$0x0];
	s2 =	stileid.u32  }
0x1c0: {  	s1 =	rddreg [dreg:$0x1];
	p0 =	sne.s32 s2, $0x0  }
0x1c1: {  	s3 =	rddreg [dreg:$0x2];
	[bflag:$0x3] =	sbarrier.arrive $0xFFFF;
	s2 =	simm.s32 @!p0 $0x1C02  }
0x1c2: {  	[timem:s3], [sflag:s2] =	dma.local @!p0 [hbm:s0], s1  }
0x1c3: {  	s0 =	simm.s32 @!p0 $0x2  }
0x1c4: {  	_ =	swait.ge @!p0 [sflag:s0], s1  }
0x1c5: {  	s1 =	ssub.s32 @!p0 $0x0, s1;
	[sflag:s0] =	ssyncset.done @!p0 $0x0  }
0x1c6: {  	[sflag:s0] =	ssyncadd.s32 @!p0 s1  }
0x1c7: {  	[bflag:$0x3] =	sbarrier.arrive $0xFFFF  }
0x1c8: {  	_ =	shalt  }

</sc_bundles>
